<compile_context>
chip_gen: v7x
topology: tpu7x:2x2x1
jax: 0.10.2.dev20260603
libtpu: 0.0.44.dev20260713+nightly
codegen_flags: <defaults>
</compile_context>

<pallas_src>
import functools

import jax
import jax.numpy as jnp
from jax import lax
from jax.experimental import pallas as pl
from jax.experimental.pallas import tpu as pltpu
from jax.experimental.pallas import tpu_sc as plsc


def kernel(out0, out1, out2, out3, comp_id):
    B, D = out0.shape
    info = plsc.get_sparse_core_info()
    NC, NS, L = info.num_cores, info.num_subcores, info.num_lanes
    NW = NC * NS
    bpw = B // NW
    ngrp = bpw // L
    CH = L
    SEGF = bpw + CH
    cid1d = comp_id.reshape(B)

    mesh = plsc.VectorSubcoreMesh(core_axis_name="c", subcore_axis_name="s")

    @functools.partial(
        pl.kernel,
        mesh=mesh,
        out_type=jax.ShapeDtypeStruct((B, D), jnp.float32),
        scratch_types=[
            pltpu.VMEM((bpw,), jnp.int32),
            pltpu.VMEM((4 * SEGF,), jnp.int32),
            pltpu.VMEM((L,), jnp.int32),
            pltpu.VMEM((bpw + 4 * CH, D), jnp.float32),
            pltpu.SemaphoreType.DMA,
            pltpu.SemaphoreType.DMA,
        ],
        compiler_params=pltpu.CompilerParams(
            needs_layout_passes=False, use_tc_tiling_on_sc=False),
    )
    def run(o0, o1, o2, o3, cid_hbm, out_hbm,
            cid_v, ilist, cnt_v, rows_v, gsem, ssem):
        tables = (o0, o1, o2, o3)
        wid = lax.axis_index("s") * NC + lax.axis_index("c")
        base = wid * bpw
        pltpu.sync_copy(cid_hbm.at[pl.ds(base, bpw)], cid_v)

        cnt_v[pl.ds(0, L)] = jnp.zeros((L,), jnp.int32)
        iota = lax.iota(jnp.int32, L)
        basis = plsc.scan_count(jnp.zeros((L,), jnp.int32))[0][0]

        def grp_body(g, carry):
            cid16 = cid_v[pl.ds(g * L, L)]
            rows16 = (base + g * L) + iota
            dup, lastm = plsc.scan_count(cid16)
            cntv = plsc.load_gather(cnt_v, [cid16])
            rel = cntv + (dup - basis)
            plsc.store_scatter(ilist, [cid16 * SEGF + rel], rows16)
            plsc.store_scatter(cnt_v, [cid16], rel + 1, mask=lastm)
            return carry

        lax.fori_loop(0, ngrp, grp_body, 0)

        cvec = cnt_v[pl.ds(0, L)]
        cnts = tuple(cvec[k] for k in range(4))
        nch = tuple((cnts[k] + (CH - 1)) // CH for k in range(4))
        offs = (jnp.int32(0), nch[0] * CH, (nch[0] + nch[1]) * CH,
                (nch[0] + nch[1] + nch[2]) * CH)

        for k in range(4):
            last_at = k * SEGF + jnp.maximum(cnts[k] - 1, 0)
            padv = plsc.load_gather(
                ilist, [jnp.full((L,), last_at, jnp.int32)])
            for i in range(CH // L):
                ilist[pl.ds(k * SEGF + cnts[k] + i * L, L)] = padv

        def g_copy(k, j):
            idx16 = ilist[pl.ds(k * SEGF + j * CH, CH)]
            return pltpu.make_async_copy(
                tables[k].at[idx16],
                rows_v.at[pl.ds(offs[k] + j * CH, CH), :],
                gsem)

        def s_copy(k, j):
            idx16 = ilist[pl.ds(k * SEGF + j * CH, CH)]
            return pltpu.make_async_copy(
                rows_v.at[pl.ds(offs[k] + j * CH, CH), :],
                out_hbm.at[idx16],
                ssem)

        for k in range(4):
            lax.fori_loop(
                0, nch[k], lambda j, _, k=k: (g_copy(k, j).start(), 0)[1], 0)
        for k in range(4):
            lax.fori_loop(
                0, nch[k], lambda j, _, k=k: (g_copy(k, j).wait(), 0)[1], 0)
        for k in range(4):
            lax.fori_loop(
                0, nch[k], lambda j, _, k=k: (s_copy(k, j).start(), 0)[1], 0)
        for k in range(4):
            lax.fori_loop(
                0, nch[k], lambda j, _, k=k: (s_copy(k, j).wait(), 0)[1], 0)

    return run(out0, out1, out2, out3, cid1d)

# --- scband reference (transcript-rebuilt; emitter-appended) ---
"""Pipeline reference for scband-select-decoder-output-32332513804569 (READ-ONLY COPY).

The authoritative reference and input builder live on the scoring server;
editing this copy changes nothing except your own understanding.
"""

import jax, jax.numpy as jnp
import numpy as np


def setup_inputs(seed: int = 0) -> dict:
    key = jax.random.key(seed)
    k0, k1, k2, k3, k4 = jax.random.split(key, 5)
    B, D, K = 16384, 128, 4
    out0 = jax.random.normal(k0, (B, D), dtype=jnp.float32)
    out1 = jax.random.normal(k1, (B, D), dtype=jnp.float32)
    out2 = jax.random.normal(k2, (B, D), dtype=jnp.float32)
    out3 = jax.random.normal(k3, (B, D), dtype=jnp.float32)
    comp_id = jax.random.randint(k4, (B, 1), 0, K, dtype=jnp.int32)
    return {"out0": out0, "out1": out1, "out2": out2, "out3": out3, "comp_id": comp_id}


def reference(out0, out1, out2, out3, comp_id):
    # stack decoder outputs along axis 1: [B, K, D]
    stacked = jnp.stack([out0, out1, out2, out3], axis=1)
    batch_size = stacked.shape[0]
    cid = jnp.squeeze(comp_id, axis=-1)  # [B]
    batch_indices = jnp.arange(batch_size)
    # gather_nd with indices [B, 2] -> per-row select of one decoder output
    selected = stacked[batch_indices, cid]  # [B, D]
    return selected

if __name__ == "__main__":
    import jax
    _d = setup_inputs()
    print(jax.jit(kernel)(*tuple(_d.values())))

</pallas_src>

<mosaic_0001>
#map = affine_map<(d0, d1) -> (0, 0)>
#map1 = affine_map<(d0, d1) -> (0)>
module attributes {stable_mosaic.version = 14 : i64} {
  func.func @run(%arg0: i32, %arg1: i32, %arg2: memref<16384x128xf32, #tpu.memory_space<hbm>>, %arg3: memref<16384x128xf32, #tpu.memory_space<hbm>>, %arg4: memref<16384x128xf32, #tpu.memory_space<hbm>>, %arg5: memref<16384x128xf32, #tpu.memory_space<hbm>>, %arg6: memref<16384xi32, #tpu.memory_space<hbm>>, %arg7: memref<16384x128xf32, #tpu.memory_space<hbm>>, %arg8: memref<512xi32, #tpu.memory_space<vmem>>, %arg9: memref<2112xi32, #tpu.memory_space<vmem>>, %arg10: memref<16xi32, #tpu.memory_space<vmem>>, %arg11: memref<576x128xf32, #tpu.memory_space<vmem>>, %arg12: memref<!tpu.dma_semaphore, #tpu.memory_space<semaphore_mem>>, %arg13: memref<!tpu.dma_semaphore, #tpu.memory_space<semaphore_mem>>) attributes {dimension_semantics = [#tpu.dimension_semantics<core_parallel>, #tpu.dimension_semantics<subcore_parallel>], iteration_bounds = array<i64: 2, 16>, scalar_prefetch = 0 : i64, scratch_operands = 6 : i64, tpu.core_type = #tpu.core_type<sc_vector_subcore>, window_params = [{transform_indices = #map}, {transform_indices = #map}, {transform_indices = #map}, {transform_indices = #map}, {transform_indices = #map1}, {transform_indices = #map}]} {
    %mul3A = arith.constant 2 : i32
    %mul3A_0 = arith.muli %arg1, %mul3A : i32
    %add3A = arith.addi %mul3A_0, %arg0 : i32
    %mul3A_1 = arith.constant 512 : i32
    %mul3A_2 = arith.muli %add3A, %mul3A_1 : i32
    "tpu.region"() ({
      %run_scoped3A = tpu.sem_alloc : memref<!tpu.dma_semaphore, #tpu.memory_space<semaphore_mem>>
      %dma_start3A = tpu.memref_slice %arg6[%mul3A_2] : memref<16384xi32, #tpu.memory_space<hbm>> -> memref<512xi32, #tpu.memory_space<hbm>>
      %dma_start3A_378 = tpu.memref_slice %arg6[%mul3A_2] : memref<16384xi32, #tpu.memory_space<hbm>> -> memref<512xi32, #tpu.memory_space<hbm>>
      tpu.enqueue_dma source(%dma_start3A_378 : memref<512xi32, #tpu.memory_space<hbm>>) target(%arg8 : memref<512xi32, #tpu.memory_space<vmem>>) target_semaphore(%run_scoped3A : memref<!tpu.dma_semaphore, #tpu.memory_space<semaphore_mem>>)
      %dma_wait3A = tpu.memref_slice %arg6[%mul3A_2] : memref<16384xi32, #tpu.memory_space<hbm>> -> memref<512xi32, #tpu.memory_space<hbm>>
      %dma_wait3A_379 = tpu.memref_slice %arg6[%mul3A_2] : memref<16384xi32, #tpu.memory_space<hbm>> -> memref<512xi32, #tpu.memory_space<hbm>>
      tpu.wait_dma2 semaphore(%run_scoped3A : memref<!tpu.dma_semaphore, #tpu.memory_space<semaphore_mem>>) src(%dma_wait3A_379 : memref<512xi32, #tpu.memory_space<hbm>>) dst(%arg8 : memref<512xi32, #tpu.memory_space<vmem>>)
      tpu.yield
    }) : () -> ()
    %broadcast_in_dim3A = arith.constant 0 : i32
    %broadcast_in_dim3A_3 = vector.broadcast %broadcast_in_dim3A : i32 to vector<16xi32>
    %swap3A = arith.constant 0 : index
    %swap3A_4 = tpu.vector_load %arg10[%swap3A] {strides = array<i32>} : memref<16xi32, #tpu.memory_space<vmem>>, vector<16xi32>,
    tpu.vector_store %arg10[%swap3A], %broadcast_in_dim3A_3 {strides = array<i32>} : memref<16xi32, #tpu.memory_space<vmem>>, vector<16xi32>,
    %iota3A = tpu.iota {dimensions = array<i32: 0>} : vector<16xi32>
    %broadcast_in_dim3A_5 = arith.constant 0 : i32
    %broadcast_in_dim3A_6 = vector.broadcast %broadcast_in_dim3A_5 : i32 to vector<16xi32>
    %broadcast_in_dim3A_7 = arith.constant true
    %broadcast_in_dim3A_8 = vector.broadcast %broadcast_in_dim3A_7 : i1 to vector<16xi1>
    %unique3A, %unique3A_9 = tpu.scan_count mask(%broadcast_in_dim3A_8 : vector<16xi1>) value(%broadcast_in_dim3A_6 : vector<16xi32>) : vector<16xi1>, vector<16xi32>
    %slice3A = vector.extract_strided_slice %unique3A_9 {offsets = [0], sizes = [1], strides = [1]} : vector<16xi32> to vector<1xi32>
    %squeeze3A = vector.extract %slice3A[0] : i32 from vector<1xi32>
    %scan3A = arith.constant 0 : i32
    %scan3A_10 = arith.constant 0 : i32
    %scan3A_11 = arith.constant 32 : i32
    %scan3A_12 = arith.addi %scan3A_10, %scan3A_11 : i32
    %scan3A_13 = arith.constant 1 : i32
    scf.for %scan3A_378 = %scan3A_10 to %scan3A_12 step %scan3A_13  : i32 {
      %mul3A_379 = arith.constant 16 : i32
      %mul3A_380 = arith.muli %scan3A_378, %mul3A_379 : i32
      %get3A_381 = arith.index_cast %mul3A_380 : i32 to index
      %get3A_382 = tpu.vector_load %arg8[%get3A_381] {strides = array<i32>} : memref<512xi32, #tpu.memory_space<vmem>>, vector<16xi32>,
      %mul3A_383 = arith.constant 16 : i32
      %mul3A_384 = arith.muli %scan3A_378, %mul3A_383 : i32
      %add3A_385 = arith.addi %mul3A_2, %mul3A_384 : i32
      %add3A_386 = vector.broadcast %add3A_385 : i32 to vector<16xi32>
      %add3A_387 = arith.addi %add3A_386, %iota3A : vector<16xi32>
      %broadcast_in_dim3A_388 = arith.constant true
      %broadcast_in_dim3A_389 = vector.broadcast %broadcast_in_dim3A_388 : i1 to vector<16xi1>
      %unique3A_390, %unique3A_391 = tpu.scan_count mask(%broadcast_in_dim3A_389 : vector<16xi1>) value(%get3A_382 : vector<16xi32>) : vector<16xi1>, vector<16xi32>
      %gather3A_392 = tpu.vector_load_idx %arg10[%get3A_382] : memref<16xi32, #tpu.memory_space<vmem>>[vector<16xi32>], vector<16xi32>,
      %sub3A_393 = vector.broadcast %squeeze3A : i32 to vector<16xi32>
      %sub3A_394 = arith.subi %unique3A_391, %sub3A_393 : vector<16xi32>
      %add3A_395 = arith.addi %gather3A_392, %sub3A_394 : vector<16xi32>
      %mul3A_396 = arith.constant 528 : i32
      %mul3A_397 = vector.broadcast %mul3A_396 : i32 to vector<16xi32>
      %mul3A_398 = arith.muli %get3A_382, %mul3A_397 : vector<16xi32>
      %add3A_399 = arith.addi %mul3A_398, %add3A_395 : vector<16xi32>
      tpu.vector_store_idx %arg9[%add3A_399], %add3A_387 : memref<2112xi32, #tpu.memory_space<vmem>>[vector<16xi32>], vector<16xi32>,
      %add3A_400 = arith.constant 1 : i32
      %add3A_401 = vector.broadcast %add3A_400 : i32 to vector<16xi32>
      %add3A_402 = arith.addi %add3A_395, %add3A_401 : vector<16xi32>
      tpu.vector_store_idx %arg10[%get3A_382], %add3A_402 masked %unique3A_390 : memref<16xi32, #tpu.memory_space<vmem>>[vector<16xi32>], vector<16xi32>, vector<16xi1>
    }
    %scan3A_14 = arith.constant 32 : i32
    %get3A = arith.constant 0 : index
    %get3A_15 = tpu.vector_load %arg10[%get3A] {strides = array<i32>} : memref<16xi32, #tpu.memory_space<vmem>>, vector<16xi32>,
    %slice3A_16 = vector.extract_strided_slice %get3A_15 {offsets = [0], sizes = [1], strides = [1]} : vector<16xi32> to vector<1xi32>
    %squeeze3A_17 = vector.extract %slice3A_16[0] : i32 from vector<1xi32>
    %slice3A_18 = vector.extract_strided_slice %get3A_15 {offsets = [1], sizes = [1], strides = [1]} : vector<16xi32> to vector<1xi32>
    %squeeze3A_19 = vector.extract %slice3A_18[0] : i32 from vector<1xi32>
    %slice3A_20 = vector.extract_strided_slice %get3A_15 {offsets = [2], sizes = [1], strides = [1]} : vector<16xi32> to vector<1xi32>
    %squeeze3A_21 = vector.extract %slice3A_20[0] : i32 from vector<1xi32>
    %slice3A_22 = vector.extract_strided_slice %get3A_15 {offsets = [3], sizes = [1], strides = [1]} : vector<16xi32> to vector<1xi32>
    %squeeze3A_23 = vector.extract %slice3A_22[0] : i32 from vector<1xi32>
    %add3A_24 = arith.constant 15 : i32
    %add3A_25 = arith.addi %squeeze3A_17, %add3A_24 : i32
    %jit3A = arith.constant 16 : i32
    %div3A = arith.divsi %add3A_25, %jit3A : i32
    %sign3A = arith.constant 0 : i32
    %sign3A_26 = arith.cmpi sgt, %add3A_25, %sign3A : i32
    %sign3A_27 = arith.extui %sign3A_26 : i1 to i32
    %sign3A_28 = arith.constant 0 : i32
    %sign3A_29 = arith.cmpi slt, %add3A_25, %sign3A_28 : i32
    %sign3A_30 = arith.extui %sign3A_29 : i1 to i32
    %sign3A_31 = arith.subi %sign3A_27, %sign3A_30 : i32
    %sign3A_32 = arith.constant 0 : i32
    %sign3A_33 = arith.cmpi sgt, %jit3A, %sign3A_32 : i32
    %sign3A_34 = arith.extui %sign3A_33 : i1 to i32
    %sign3A_35 = arith.constant 0 : i32
    %sign3A_36 = arith.cmpi slt, %jit3A, %sign3A_35 : i32
    %sign3A_37 = arith.extui %sign3A_36 : i1 to i32
    %sign3A_38 = arith.subi %sign3A_34, %sign3A_37 : i32
    %ne3A = arith.cmpi ne, %sign3A_31, %sign3A_38 : i32
    %rem3A = arith.remsi %add3A_25, %jit3A : i32
    %ne3A_39 = arith.constant 0 : i32
    %ne3A_40 = arith.cmpi ne, %rem3A, %ne3A_39 : i32
    %and3A = arith.andi %ne3A, %ne3A_40 : i1
    %sub3A = arith.constant 1 : i32
    %sub3A_41 = arith.subi %div3A, %sub3A : i32
    %select_n3A = arith.select %and3A, %sub3A_41, %div3A : i32
    %add3A_42 = arith.constant 15 : i32
    %add3A_43 = arith.addi %squeeze3A_19, %add3A_42 : i32
    %jit3A_44 = arith.constant 16 : i32
    %div3A_45 = arith.divsi %add3A_43, %jit3A_44 : i32
    %sign3A_46 = arith.constant 0 : i32
    %sign3A_47 = arith.cmpi sgt, %add3A_43, %sign3A_46 : i32
    %sign3A_48 = arith.extui %sign3A_47 : i1 to i32
    %sign3A_49 = arith.constant 0 : i32
    %sign3A_50 = arith.cmpi slt, %add3A_43, %sign3A_49 : i32
    %sign3A_51 = arith.extui %sign3A_50 : i1 to i32
    %sign3A_52 = arith.subi %sign3A_48, %sign3A_51 : i32
    %sign3A_53 = arith.constant 0 : i32
    %sign3A_54 = arith.cmpi sgt, %jit3A_44, %sign3A_53 : i32
    %sign3A_55 = arith.extui %sign3A_54 : i1 to i32
    %sign3A_56 = arith.constant 0 : i32
    %sign3A_57 = arith.cmpi slt, %jit3A_44, %sign3A_56 : i32
    %sign3A_58 = arith.extui %sign3A_57 : i1 to i32
    %sign3A_59 = arith.subi %sign3A_55, %sign3A_58 : i32
    %ne3A_60 = arith.cmpi ne, %sign3A_52, %sign3A_59 : i32
    %rem3A_61 = arith.remsi %add3A_43, %jit3A_44 : i32
    %ne3A_62 = arith.constant 0 : i32
    %ne3A_63 = arith.cmpi ne, %rem3A_61, %ne3A_62 : i32
    %and3A_64 = arith.andi %ne3A_60, %ne3A_63 : i1
    %sub3A_65 = arith.constant 1 : i32
    %sub3A_66 = arith.subi %div3A_45, %sub3A_65 : i32
    %select_n3A_67 = arith.select %and3A_64, %sub3A_66, %div3A_45 : i32
    %add3A_68 = arith.constant 15 : i32
    %add3A_69 = arith.addi %squeeze3A_21, %add3A_68 : i32
    %jit3A_70 = arith.constant 16 : i32
    %div3A_71 = arith.divsi %add3A_69, %jit3A_70 : i32
    %sign3A_72 = arith.constant 0 : i32
    %sign3A_73 = arith.cmpi sgt, %add3A_69, %sign3A_72 : i32
    %sign3A_74 = arith.extui %sign3A_73 : i1 to i32
    %sign3A_75 = arith.constant 0 : i32
    %sign3A_76 = arith.cmpi slt, %add3A_69, %sign3A_75 : i32
    %sign3A_77 = arith.extui %sign3A_76 : i1 to i32
    %sign3A_78 = arith.subi %sign3A_74, %sign3A_77 : i32
    %sign3A_79 = arith.constant 0 : i32
    %sign3A_80 = arith.cmpi sgt, %jit3A_70, %sign3A_79 : i32
    %sign3A_81 = arith.extui %sign3A_80 : i1 to i32
    %sign3A_82 = arith.constant 0 : i32
    %sign3A_83 = arith.cmpi slt, %jit3A_70, %sign3A_82 : i32
    %sign3A_84 = arith.extui %sign3A_83 : i1 to i32
    %sign3A_85 = arith.subi %sign3A_81, %sign3A_84 : i32
    %ne3A_86 = arith.cmpi ne, %sign3A_78, %sign3A_85 : i32
    %rem3A_87 = arith.remsi %add3A_69, %jit3A_70 : i32
    %ne3A_88 = arith.constant 0 : i32
    %ne3A_89 = arith.cmpi ne, %rem3A_87, %ne3A_88 : i32
    %and3A_90 = arith.andi %ne3A_86, %ne3A_89 : i1
    %sub3A_91 = arith.constant 1 : i32
    %sub3A_92 = arith.subi %div3A_71, %sub3A_91 : i32
    %select_n3A_93 = arith.select %and3A_90, %sub3A_92, %div3A_71 : i32
    %add3A_94 = arith.constant 15 : i32
    %add3A_95 = arith.addi %squeeze3A_23, %add3A_94 : i32
    %jit3A_96 = arith.constant 16 : i32
    %div3A_97 = arith.divsi %add3A_95, %jit3A_96 : i32
    %sign3A_98 = arith.constant 0 : i32
    %sign3A_99 = arith.cmpi sgt, %add3A_95, %sign3A_98 : i32
    %sign3A_100 = arith.extui %sign3A_99 : i1 to i32
    %sign3A_101 = arith.constant 0 : i32
    %sign3A_102 = arith.cmpi slt, %add3A_95, %sign3A_101 : i32
    %sign3A_103 = arith.extui %sign3A_102 : i1 to i32
    %sign3A_104 = arith.subi %sign3A_100, %sign3A_103 : i32
    %sign3A_105 = arith.constant 0 : i32
    %sign3A_106 = arith.cmpi sgt, %jit3A_96, %sign3A_105 : i32
    %sign3A_107 = arith.extui %sign3A_106 : i1 to i32
    %sign3A_108 = arith.constant 0 : i32
    %sign3A_109 = arith.cmpi slt, %jit3A_96, %sign3A_108 : i32
    %sign3A_110 = arith.extui %sign3A_109 : i1 to i32
    %sign3A_111 = arith.subi %sign3A_107, %sign3A_110 : i32
    %ne3A_112 = arith.cmpi ne, %sign3A_104, %sign3A_111 : i32
    %rem3A_113 = arith.remsi %add3A_95, %jit3A_96 : i32
    %ne3A_114 = arith.constant 0 : i32
    %ne3A_115 = arith.cmpi ne, %rem3A_113, %ne3A_114 : i32
    %and3A_116 = arith.andi %ne3A_112, %ne3A_115 : i1
    %sub3A_117 = arith.constant 1 : i32
    %sub3A_118 = arith.subi %div3A_97, %sub3A_117 : i32
    %select_n3A_119 = arith.select %and3A_116, %sub3A_118, %div3A_97 : i32
    %mul3A_120 = arith.constant 16 : i32
    %mul3A_121 = arith.muli %select_n3A, %mul3A_120 : i32
    %add3A_122 = arith.addi %select_n3A, %select_n3A_67 : i32
    %mul3A_123 = arith.constant 16 : i32
    %mul3A_124 = arith.muli %add3A_122, %mul3A_123 : i32
    %add3A_125 = arith.addi %select_n3A, %select_n3A_67 : i32
    %add3A_126 = arith.addi %add3A_125, %select_n3A_93 : i32
    %mul3A_127 = arith.constant 16 : i32
    %mul3A_128 = arith.muli %add3A_126, %mul3A_127 : i32
    %sub3A_129 = arith.constant 1 : i32
    %sub3A_130 = arith.subi %squeeze3A_17, %sub3A_129 : i32
    %max3A = arith.constant 0 : i32
    %max3A_131 = arith.maxsi %sub3A_130, %max3A : i32
    %add3A_132 = arith.constant 0 : i32
    %add3A_133 = arith.addi %add3A_132, %max3A_131 : i32
    %broadcast_in_dim3A_134 = vector.broadcast %add3A_133 : i32 to vector<16xi32>
    %gather3A = tpu.vector_load_idx %arg9[%broadcast_in_dim3A_134] : memref<2112xi32, #tpu.memory_space<vmem>>[vector<16xi32>], vector<16xi32>,
    %add3A_135 = arith.constant 0 : i32
    %add3A_136 = arith.addi %add3A_135, %squeeze3A_17 : i32
    %add3A_137 = arith.constant 0 : i32
    %add3A_138 = arith.addi %add3A_136, %add3A_137 : i32
    %swap3A_139 = arith.index_cast %add3A_138 : i32 to index
    %swap3A_140 = tpu.vector_load %arg9[%swap3A_139] {strides = array<i32>} : memref<2112xi32, #tpu.memory_space<vmem>>, vector<16xi32>,
    tpu.vector_store %arg9[%swap3A_139], %gather3A {strides = array<i32>} : memref<2112xi32, #tpu.memory_space<vmem>>, vector<16xi32>,
    %sub3A_141 = arith.constant 1 : i32
    %sub3A_142 = arith.subi %squeeze3A_19, %sub3A_141 : i32
    %max3A_143 = arith.constant 0 : i32
    %max3A_144 = arith.maxsi %sub3A_142, %max3A_143 : i32
    %add3A_145 = arith.constant 528 : i32
    %add3A_146 = arith.addi %add3A_145, %max3A_144 : i32
    %broadcast_in_dim3A_147 = vector.broadcast %add3A_146 : i32 to vector<16xi32>
    %gather3A_148 = tpu.vector_load_idx %arg9[%broadcast_in_dim3A_147] : memref<2112xi32, #tpu.memory_space<vmem>>[vector<16xi32>], vector<16xi32>,
    %add3A_149 = arith.constant 528 : i32
    %add3A_150 = arith.addi %add3A_149, %squeeze3A_19 : i32
    %add3A_151 = arith.constant 0 : i32
    %add3A_152 = arith.addi %add3A_150, %add3A_151 : i32
    %swap3A_153 = arith.index_cast %add3A_152 : i32 to index
    %swap3A_154 = tpu.vector_load %arg9[%swap3A_153] {strides = array<i32>} : memref<2112xi32, #tpu.memory_space<vmem>>, vector<16xi32>,
    tpu.vector_store %arg9[%swap3A_153], %gather3A_148 {strides = array<i32>} : memref<2112xi32, #tpu.memory_space<vmem>>, vector<16xi32>,
    %sub3A_155 = arith.constant 1 : i32
    %sub3A_156 = arith.subi %squeeze3A_21, %sub3A_155 : i32
    %max3A_157 = arith.constant 0 : i32
    %max3A_158 = arith.maxsi %sub3A_156, %max3A_157 : i32
    %add3A_159 = arith.constant 1056 : i32
    %add3A_160 = arith.addi %add3A_159, %max3A_158 : i32
    %broadcast_in_dim3A_161 = vector.broadcast %add3A_160 : i32 to vector<16xi32>
    %gather3A_162 = tpu.vector_load_idx %arg9[%broadcast_in_dim3A_161] : memref<2112xi32, #tpu.memory_space<vmem>>[vector<16xi32>], vector<16xi32>,
    %add3A_163 = arith.constant 1056 : i32
    %add3A_164 = arith.addi %add3A_163, %squeeze3A_21 : i32
    %add3A_165 = arith.constant 0 : i32
    %add3A_166 = arith.addi %add3A_164, %add3A_165 : i32
    %swap3A_167 = arith.index_cast %add3A_166 : i32 to index
    %swap3A_168 = tpu.vector_load %arg9[%swap3A_167] {strides = array<i32>} : memref<2112xi32, #tpu.memory_space<vmem>>, vector<16xi32>,
    tpu.vector_store %arg9[%swap3A_167], %gather3A_162 {strides = array<i32>} : memref<2112xi32, #tpu.memory_space<vmem>>, vector<16xi32>,
    %sub3A_169 = arith.constant 1 : i32
    %sub3A_170 = arith.subi %squeeze3A_23, %sub3A_169 : i32
    %max3A_171 = arith.constant 0 : i32
    %max3A_172 = arith.maxsi %sub3A_170, %max3A_171 : i32
    %add3A_173 = arith.constant 1584 : i32
    %add3A_174 = arith.addi %add3A_173, %max3A_172 : i32
    %broadcast_in_dim3A_175 = vector.broadcast %add3A_174 : i32 to vector<16xi32>
    %gather3A_176 = tpu.vector_load_idx %arg9[%broadcast_in_dim3A_175] : memref<2112xi32, #tpu.memory_space<vmem>>[vector<16xi32>], vector<16xi32>,
    %add3A_177 = arith.constant 1584 : i32
    %add3A_178 = arith.addi %add3A_177, %squeeze3A_23 : i32
    %add3A_179 = arith.constant 0 : i32
    %add3A_180 = arith.addi %add3A_178, %add3A_179 : i32
    %swap3A_181 = arith.index_cast %add3A_180 : i32 to index
    %swap3A_182 = tpu.vector_load %arg9[%swap3A_181] {strides = array<i32>} : memref<2112xi32, #tpu.memory_space<vmem>>, vector<16xi32>,
    tpu.vector_store %arg9[%swap3A_181], %gather3A_176 {strides = array<i32>} : memref<2112xi32, #tpu.memory_space<vmem>>, vector<16xi32>,
    %while3A = arith.constant 0 : i32
    %while3A_183 = arith.constant 0 : i32
    %while3A_184 = arith.constant 0 : i32
    %while3A_185 = arith.subi %select_n3A, %while3A_183 : i32
    %while3A_186 = arith.addi %while3A_183, %while3A_185 : i32
    %while3A_187 = arith.constant 1 : i32
    %while3A_188 = arith.divsi %while3A_185, %while3A_187 : i32
    %while3A_189 = arith.muli %while3A_188, %while3A_187 : i32
    %while3A_190 = arith.addi %while3A_183, %while3A_189 : i32
    %while3A_191 = arith.constant 1 : i32
    %while3A_192 = scf.for %while3A_378 = %while3A_183 to %while3A_190 step %while3A_191 iter_args(%while3A_379 = %while3A_184) -> (i32)  : i32 {
      %mul3A_380 = arith.constant 16 : i32
      %mul3A_381 = arith.muli %while3A_378, %mul3A_380 : i32
      %add3A_382 = arith.constant 0 : i32
      %add3A_383 = arith.addi %add3A_382, %mul3A_381 : i32
      %get3A_384 = arith.index_cast %add3A_383 : i32 to index
      %get3A_385 = tpu.vector_load %arg9[%get3A_384] {strides = array<i32>} : memref<2112xi32, #tpu.memory_space<vmem>>, vector<16xi32>,
      %mul3A_386 = arith.constant 16 : i32
      %mul3A_387 = arith.muli %while3A_378, %mul3A_386 : i32
      %add3A_388 = arith.addi %while3A, %mul3A_387 : i32
      %dma_start3A = arith.constant 0 : i32
      %dma_start3A_389 = tpu.memref_slice %arg11[%add3A_388, %dma_start3A] : memref<576x128xf32, #tpu.memory_space<vmem>> -> memref<16x128xf32, #tpu.memory_space<vmem>>
      %dma_start3A_390 = arith.constant 0 : i32
      %dma_start3A_391 = arith.constant 0 : i32
      %dma_start3A_392 = tpu.memref_slice %arg2[%dma_start3A_390, %dma_start3A_391] : memref<16384x128xf32, #tpu.memory_space<hbm>> -> memref<16384x128xf32, #tpu.memory_space<hbm>>
      tpu.enqueue_indirect_dma source(%dma_start3A_392 : memref<16384x128xf32, #tpu.memory_space<hbm>>) target(%dma_start3A_389 : memref<16x128xf32, #tpu.memory_space<vmem>>) offsets(%get3A_385 : vector<16xi32>) semaphore(%arg12 : memref<!tpu.dma_semaphore, #tpu.memory_space<semaphore_mem>>)
      %while3A_393 = arith.constant 0 : i32
      scf.yield %while3A_393 : i32
    }
    %while3A_193 = arith.constant 1 : i32
    %while3A_194 = scf.for %while3A_378 = %while3A_190 to %while3A_186 step %while3A_193 iter_args(%while3A_379 = %while3A_192) -> (i32)  : i32 {
      %mul3A_380 = arith.constant 16 : i32
      %mul3A_381 = arith.muli %while3A_378, %mul3A_380 : i32
      %add3A_382 = arith.constant 0 : i32
      %add3A_383 = arith.addi %add3A_382, %mul3A_381 : i32
      %get3A_384 = arith.index_cast %add3A_383 : i32 to index
      %get3A_385 = tpu.vector_load %arg9[%get3A_384] {strides = array<i32>} : memref<2112xi32, #tpu.memory_space<vmem>>, vector<16xi32>,
      %mul3A_386 = arith.constant 16 : i32
      %mul3A_387 = arith.muli %while3A_378, %mul3A_386 : i32
      %add3A_388 = arith.addi %while3A, %mul3A_387 : i32
      %dma_start3A = arith.constant 0 : i32
      %dma_start3A_389 = tpu.memref_slice %arg11[%add3A_388, %dma_start3A] : memref<576x128xf32, #tpu.memory_space<vmem>> -> memref<16x128xf32, #tpu.memory_space<vmem>>
      %dma_start3A_390 = arith.constant 0 : i32
      %dma_start3A_391 = arith.constant 0 : i32
      %dma_start3A_392 = tpu.memref_slice %arg2[%dma_start3A_390, %dma_start3A_391] : memref<16384x128xf32, #tpu.memory_space<hbm>> -> memref<16384x128xf32, #tpu.memory_space<hbm>>
      tpu.enqueue_indirect_dma source(%dma_start3A_392 : memref<16384x128xf32, #tpu.memory_space<hbm>>) target(%dma_start3A_389 : memref<16x128xf32, #tpu.memory_space<vmem>>) offsets(%get3A_385 : vector<16xi32>) semaphore(%arg12 : memref<!tpu.dma_semaphore, #tpu.memory_space<semaphore_mem>>)
      %while3A_393 = arith.constant 0 : i32
      scf.yield %while3A_393 : i32
    }
    %while3A_195 = arith.constant 0 : i32
    %while3A_196 = arith.constant 0 : i32
    %while3A_197 = arith.subi %select_n3A_67, %while3A_195 : i32
    %while3A_198 = arith.addi %while3A_195, %while3A_197 : i32
    %while3A_199 = arith.constant 1 : i32
    %while3A_200 = arith.divsi %while3A_197, %while3A_199 : i32
    %while3A_201 = arith.muli %while3A_200, %while3A_199 : i32
    %while3A_202 = arith.addi %while3A_195, %while3A_201 : i32
    %while3A_203 = arith.constant 1 : i32
    %while3A_204 = scf.for %while3A_378 = %while3A_195 to %while3A_202 step %while3A_203 iter_args(%while3A_379 = %while3A_196) -> (i32)  : i32 {
      %mul3A_380 = arith.constant 16 : i32
      %mul3A_381 = arith.muli %while3A_378, %mul3A_380 : i32
      %add3A_382 = arith.constant 528 : i32
      %add3A_383 = arith.addi %add3A_382, %mul3A_381 : i32
      %get3A_384 = arith.index_cast %add3A_383 : i32 to index
      %get3A_385 = tpu.vector_load %arg9[%get3A_384] {strides = array<i32>} : memref<2112xi32, #tpu.memory_space<vmem>>, vector<16xi32>,
      %mul3A_386 = arith.constant 16 : i32
      %mul3A_387 = arith.muli %while3A_378, %mul3A_386 : i32
      %add3A_388 = arith.addi %mul3A_121, %mul3A_387 : i32
      %dma_start3A = arith.constant 0 : i32
      %dma_start3A_389 = tpu.memref_slice %arg11[%add3A_388, %dma_start3A] : memref<576x128xf32, #tpu.memory_space<vmem>> -> memref<16x128xf32, #tpu.memory_space<vmem>>
      %dma_start3A_390 = arith.constant 0 : i32
      %dma_start3A_391 = arith.constant 0 : i32
      %dma_start3A_392 = tpu.memref_slice %arg3[%dma_start3A_390, %dma_start3A_391] : memref<16384x128xf32, #tpu.memory_space<hbm>> -> memref<16384x128xf32, #tpu.memory_space<hbm>>
      tpu.enqueue_indirect_dma source(%dma_start3A_392 : memref<16384x128xf32, #tpu.memory_space<hbm>>) target(%dma_start3A_389 : memref<16x128xf32, #tpu.memory_space<vmem>>) offsets(%get3A_385 : vector<16xi32>) semaphore(%arg12 : memref<!tpu.dma_semaphore, #tpu.memory_space<semaphore_mem>>)
      %while3A_393 = arith.constant 0 : i32
      scf.yield %while3A_393 : i32
    }
    %while3A_205 = arith.constant 1 : i32
    %while3A_206 = scf.for %while3A_378 = %while3A_202 to %while3A_198 step %while3A_205 iter_args(%while3A_379 = %while3A_204) -> (i32)  : i32 {
      %mul3A_380 = arith.constant 16 : i32
      %mul3A_381 = arith.muli %while3A_378, %mul3A_380 : i32
      %add3A_382 = arith.constant 528 : i32
      %add3A_383 = arith.addi %add3A_382, %mul3A_381 : i32
      %get3A_384 = arith.index_cast %add3A_383 : i32 to index
      %get3A_385 = tpu.vector_load %arg9[%get3A_384] {strides = array<i32>} : memref<2112xi32, #tpu.memory_space<vmem>>, vector<16xi32>,
      %mul3A_386 = arith.constant 16 : i32
      %mul3A_387 = arith.muli %while3A_378, %mul3A_386 : i32
      %add3A_388 = arith.addi %mul3A_121, %mul3A_387 : i32
      %dma_start3A = arith.constant 0 : i32
      %dma_start3A_389 = tpu.memref_slice %arg11[%add3A_388, %dma_start3A] : memref<576x128xf32, #tpu.memory_space<vmem>> -> memref<16x128xf32, #tpu.memory_space<vmem>>
      %dma_start3A_390 = arith.constant 0 : i32
      %dma_start3A_391 = arith.constant 0 : i32
      %dma_start3A_392 = tpu.memref_slice %arg3[%dma_start3A_390, %dma_start3A_391] : memref<16384x128xf32, #tpu.memory_space<hbm>> -> memref<16384x128xf32, #tpu.memory_space<hbm>>
      tpu.enqueue_indirect_dma source(%dma_start3A_392 : memref<16384x128xf32, #tpu.memory_space<hbm>>) target(%dma_start3A_389 : memref<16x128xf32, #tpu.memory_space<vmem>>) offsets(%get3A_385 : vector<16xi32>) semaphore(%arg12 : memref<!tpu.dma_semaphore, #tpu.memory_space<semaphore_mem>>)
      %while3A_393 = arith.constant 0 : i32
      scf.yield %while3A_393 : i32
    }
    %while3A_207 = arith.constant 0 : i32
    %while3A_208 = arith.constant 0 : i32
    %while3A_209 = arith.subi %select_n3A_93, %while3A_207 : i32
    %while3A_210 = arith.addi %while3A_207, %while3A_209 : i32
    %while3A_211 = arith.constant 1 : i32
    %while3A_212 = arith.divsi %while3A_209, %while3A_211 : i32
    %while3A_213 = arith.muli %while3A_212, %while3A_211 : i32
    %while3A_214 = arith.addi %while3A_207, %while3A_213 : i32
    %while3A_215 = arith.constant 1 : i32
    %while3A_216 = scf.for %while3A_378 = %while3A_207 to %while3A_214 step %while3A_215 iter_args(%while3A_379 = %while3A_208) -> (i32)  : i32 {
      %mul3A_380 = arith.constant 16 : i32
      %mul3A_381 = arith.muli %while3A_378, %mul3A_380 : i32
      %add3A_382 = arith.constant 1056 : i32
      %add3A_383 = arith.addi %add3A_382, %mul3A_381 : i32
      %get3A_384 = arith.index_cast %add3A_383 : i32 to index
      %get3A_385 = tpu.vector_load %arg9[%get3A_384] {strides = array<i32>} : memref<2112xi32, #tpu.memory_space<vmem>>, vector<16xi32>,
      %mul3A_386 = arith.constant 16 : i32
      %mul3A_387 = arith.muli %while3A_378, %mul3A_386 : i32
      %add3A_388 = arith.addi %mul3A_124, %mul3A_387 : i32
      %dma_start3A = arith.constant 0 : i32
      %dma_start3A_389 = tpu.memref_slice %arg11[%add3A_388, %dma_start3A] : memref<576x128xf32, #tpu.memory_space<vmem>> -> memref<16x128xf32, #tpu.memory_space<vmem>>
      %dma_start3A_390 = arith.constant 0 : i32
      %dma_start3A_391 = arith.constant 0 : i32
      %dma_start3A_392 = tpu.memref_slice %arg4[%dma_start3A_390, %dma_start3A_391] : memref<16384x128xf32, #tpu.memory_space<hbm>> -> memref<16384x128xf32, #tpu.memory_space<hbm>>
      tpu.enqueue_indirect_dma source(%dma_start3A_392 : memref<16384x128xf32, #tpu.memory_space<hbm>>) target(%dma_start3A_389 : memref<16x128xf32, #tpu.memory_space<vmem>>) offsets(%get3A_385 : vector<16xi32>) semaphore(%arg12 : memref<!tpu.dma_semaphore, #tpu.memory_space<semaphore_mem>>)
      %while3A_393 = arith.constant 0 : i32
      scf.yield %while3A_393 : i32
    }
    %while3A_217 = arith.constant 1 : i32
    %while3A_218 = scf.for %while3A_378 = %while3A_214 to %while3A_210 step %while3A_217 iter_args(%while3A_379 = %while3A_216) -> (i32)  : i32 {
      %mul3A_380 = arith.constant 16 : i32
      %mul3A_381 = arith.muli %while3A_378, %mul3A_380 : i32
      %add3A_382 = arith.constant 1056 : i32
      %add3A_383 = arith.addi %add3A_382, %mul3A_381 : i32
      %get3A_384 = arith.index_cast %add3A_383 : i32 to index
      %get3A_385 = tpu.vector_load %arg9[%get3A_384] {strides = array<i32>} : memref<2112xi32, #tpu.memory_space<vmem>>, vector<16xi32>,
      %mul3A_386 = arith.constant 16 : i32
      %mul3A_387 = arith.muli %while3A_378, %mul3A_386 : i32
      %add3A_388 = arith.addi %mul3A_124, %mul3A_387 : i32
      %dma_start3A = arith.constant 0 : i32
      %dma_start3A_389 = tpu.memref_slice %arg11[%add3A_388, %dma_start3A] : memref<576x128xf32, #tpu.memory_space<vmem>> -> memref<16x128xf32, #tpu.memory_space<vmem>>
      %dma_start3A_390 = arith.constant 0 : i32
      %dma_start3A_391 = arith.constant 0 : i32
      %dma_start3A_392 = tpu.memref_slice %arg4[%dma_start3A_390, %dma_start3A_391] : memref<16384x128xf32, #tpu.memory_space<hbm>> -> memref<16384x128xf32, #tpu.memory_space<hbm>>
      tpu.enqueue_indirect_dma source(%dma_start3A_392 : memref<16384x128xf32, #tpu.memory_space<hbm>>) target(%dma_start3A_389 : memref<16x128xf32, #tpu.memory_space<vmem>>) offsets(%get3A_385 : vector<16xi32>) semaphore(%arg12 : memref<!tpu.dma_semaphore, #tpu.memory_space<semaphore_mem>>)
      %while3A_393 = arith.constant 0 : i32
      scf.yield %while3A_393 : i32
    }
    %while3A_219 = arith.constant 0 : i32
    %while3A_220 = arith.constant 0 : i32
    %while3A_221 = arith.subi %select_n3A_119, %while3A_219 : i32
    %while3A_222 = arith.addi %while3A_219, %while3A_221 : i32
    %while3A_223 = arith.constant 1 : i32
    %while3A_224 = arith.divsi %while3A_221, %while3A_223 : i32
    %while3A_225 = arith.muli %while3A_224, %while3A_223 : i32
    %while3A_226 = arith.addi %while3A_219, %while3A_225 : i32
    %while3A_227 = arith.constant 1 : i32
    %while3A_228 = scf.for %while3A_378 = %while3A_219 to %while3A_226 step %while3A_227 iter_args(%while3A_379 = %while3A_220) -> (i32)  : i32 {
      %mul3A_380 = arith.constant 16 : i32
      %mul3A_381 = arith.muli %while3A_378, %mul3A_380 : i32
      %add3A_382 = arith.constant 1584 : i32
      %add3A_383 = arith.addi %add3A_382, %mul3A_381 : i32
      %get3A_384 = arith.index_cast %add3A_383 : i32 to index
      %get3A_385 = tpu.vector_load %arg9[%get3A_384] {strides = array<i32>} : memref<2112xi32, #tpu.memory_space<vmem>>, vector<16xi32>,
      %mul3A_386 = arith.constant 16 : i32
      %mul3A_387 = arith.muli %while3A_378, %mul3A_386 : i32
      %add3A_388 = arith.addi %mul3A_128, %mul3A_387 : i32
      %dma_start3A = arith.constant 0 : i32
      %dma_start3A_389 = tpu.memref_slice %arg11[%add3A_388, %dma_start3A] : memref<576x128xf32, #tpu.memory_space<vmem>> -> memref<16x128xf32, #tpu.memory_space<vmem>>
      %dma_start3A_390 = arith.constant 0 : i32
      %dma_start3A_391 = arith.constant 0 : i32
      %dma_start3A_392 = tpu.memref_slice %arg5[%dma_start3A_390, %dma_start3A_391] : memref<16384x128xf32, #tpu.memory_space<hbm>> -> memref<16384x128xf32, #tpu.memory_space<hbm>>
      tpu.enqueue_indirect_dma source(%dma_start3A_392 : memref<16384x128xf32, #tpu.memory_space<hbm>>) target(%dma_start3A_389 : memref<16x128xf32, #tpu.memory_space<vmem>>) offsets(%get3A_385 : vector<16xi32>) semaphore(%arg12 : memref<!tpu.dma_semaphore, #tpu.memory_space<semaphore_mem>>)
      %while3A_393 = arith.constant 0 : i32
      scf.yield %while3A_393 : i32
    }
    %while3A_229 = arith.constant 1 : i32
    %while3A_230 = scf.for %while3A_378 = %while3A_226 to %while3A_222 step %while3A_229 iter_args(%while3A_379 = %while3A_228) -> (i32)  : i32 {
      %mul3A_380 = arith.constant 16 : i32
      %mul3A_381 = arith.muli %while3A_378, %mul3A_380 : i32
      %add3A_382 = arith.constant 1584 : i32
      %add3A_383 = arith.addi %add3A_382, %mul3A_381 : i32
      %get3A_384 = arith.index_cast %add3A_383 : i32 to index
      %get3A_385 = tpu.vector_load %arg9[%get3A_384] {strides = array<i32>} : memref<2112xi32, #tpu.memory_space<vmem>>, vector<16xi32>,
      %mul3A_386 = arith.constant 16 : i32
      %mul3A_387 = arith.muli %while3A_378, %mul3A_386 : i32
      %add3A_388 = arith.addi %mul3A_128, %mul3A_387 : i32
      %dma_start3A = arith.constant 0 : i32
      %dma_start3A_389 = tpu.memref_slice %arg11[%add3A_388, %dma_start3A] : memref<576x128xf32, #tpu.memory_space<vmem>> -> memref<16x128xf32, #tpu.memory_space<vmem>>
      %dma_start3A_390 = arith.constant 0 : i32
      %dma_start3A_391 = arith.constant 0 : i32
      %dma_start3A_392 = tpu.memref_slice %arg5[%dma_start3A_390, %dma_start3A_391] : memref<16384x128xf32, #tpu.memory_space<hbm>> -> memref<16384x128xf32, #tpu.memory_space<hbm>>
      tpu.enqueue_indirect_dma source(%dma_start3A_392 : memref<16384x128xf32, #tpu.memory_space<hbm>>) target(%dma_start3A_389 : memref<16x128xf32, #tpu.memory_space<vmem>>) offsets(%get3A_385 : vector<16xi32>) semaphore(%arg12 : memref<!tpu.dma_semaphore, #tpu.memory_space<semaphore_mem>>)
      %while3A_393 = arith.constant 0 : i32
      scf.yield %while3A_393 : i32
    }
    %while3A_231 = arith.constant 0 : i32
    %while3A_232 = arith.constant 0 : i32
    %while3A_233 = arith.constant 0 : i32
    %while3A_234 = arith.subi %select_n3A, %while3A_232 : i32
    %while3A_235 = arith.addi %while3A_232, %while3A_234 : i32
    %while3A_236 = arith.constant 1 : i32
    %while3A_237 = arith.divsi %while3A_234, %while3A_236 : i32
    %while3A_238 = arith.muli %while3A_237, %while3A_236 : i32
    %while3A_239 = arith.addi %while3A_232, %while3A_238 : i32
    %while3A_240 = arith.constant 1 : i32
    %while3A_241 = scf.for %while3A_378 = %while3A_232 to %while3A_239 step %while3A_240 iter_args(%while3A_379 = %while3A_233) -> (i32)  : i32 {
      %mul3A_380 = arith.constant 16 : i32
      %mul3A_381 = arith.muli %while3A_378, %mul3A_380 : i32
      %add3A_382 = arith.constant 0 : i32
      %add3A_383 = arith.addi %add3A_382, %mul3A_381 : i32
      %get3A_384 = arith.index_cast %add3A_383 : i32 to index
      %get3A_385 = tpu.vector_load %arg9[%get3A_384] {strides = array<i32>} : memref<2112xi32, #tpu.memory_space<vmem>>, vector<16xi32>,
      %mul3A_386 = arith.constant 16 : i32
      %mul3A_387 = arith.muli %while3A_378, %mul3A_386 : i32
      %add3A_388 = arith.addi %while3A_231, %mul3A_387 : i32
      %dma_wait3A = arith.constant 0 : i32
      %dma_wait3A_389 = tpu.memref_slice %arg11[%add3A_388, %dma_wait3A] : memref<576x128xf32, #tpu.memory_space<vmem>> -> memref<16x128xf32, #tpu.memory_space<vmem>>
      %dma_wait3A_390 = arith.constant 0 : i32
      %dma_wait3A_391 = arith.constant 0 : i32
      %dma_wait3A_392 = tpu.memref_slice %arg2[%dma_wait3A_390, %dma_wait3A_391] : memref<16384x128xf32, #tpu.memory_space<hbm>> -> memref<16384x128xf32, #tpu.memory_space<hbm>>
      tpu.wait_indirect_dma semaphore(%arg12 : memref<!tpu.dma_semaphore, #tpu.memory_space<semaphore_mem>>) src(%dma_wait3A_392 : memref<16384x128xf32, #tpu.memory_space<hbm>>) dst(%dma_wait3A_389 : memref<16x128xf32, #tpu.memory_space<vmem>>)
      %while3A_393 = arith.constant 0 : i32
      scf.yield %while3A_393 : i32
    }
    %while3A_242 = arith.constant 1 : i32
    %while3A_243 = scf.for %while3A_378 = %while3A_239 to %while3A_235 step %while3A_242 iter_args(%while3A_379 = %while3A_241) -> (i32)  : i32 {
      %mul3A_380 = arith.constant 16 : i32
      %mul3A_381 = arith.muli %while3A_378, %mul3A_380 : i32
      %add3A_382 = arith.constant 0 : i32
      %add3A_383 = arith.addi %add3A_382, %mul3A_381 : i32
      %get3A_384 = arith.index_cast %add3A_383 : i32 to index
      %get3A_385 = tpu.vector_load %arg9[%get3A_384] {strides = array<i32>} : memref<2112xi32, #tpu.memory_space<vmem>>, vector<16xi32>,
      %mul3A_386 = arith.constant 16 : i32
      %mul3A_387 = arith.muli %while3A_378, %mul3A_386 : i32
      %add3A_388 = arith.addi %while3A_231, %mul3A_387 : i32
      %dma_wait3A = arith.constant 0 : i32
      %dma_wait3A_389 = tpu.memref_slice %arg11[%add3A_388, %dma_wait3A] : memref<576x128xf32, #tpu.memory_space<vmem>> -> memref<16x128xf32, #tpu.memory_space<vmem>>
      %dma_wait3A_390 = arith.constant 0 : i32
      %dma_wait3A_391 = arith.constant 0 : i32
      %dma_wait3A_392 = tpu.memref_slice %arg2[%dma_wait3A_390, %dma_wait3A_391] : memref<16384x128xf32, #tpu.memory_space<hbm>> -> memref<16384x128xf32, #tpu.memory_space<hbm>>
      tpu.wait_indirect_dma semaphore(%arg12 : memref<!tpu.dma_semaphore, #tpu.memory_space<semaphore_mem>>) src(%dma_wait3A_392 : memref<16384x128xf32, #tpu.memory_space<hbm>>) dst(%dma_wait3A_389 : memref<16x128xf32, #tpu.memory_space<vmem>>)
      %while3A_393 = arith.constant 0 : i32
      scf.yield %while3A_393 : i32
    }
    %while3A_244 = arith.constant 0 : i32
    %while3A_245 = arith.constant 0 : i32
    %while3A_246 = arith.subi %select_n3A_67, %while3A_244 : i32
    %while3A_247 = arith.addi %while3A_244, %while3A_246 : i32
    %while3A_248 = arith.constant 1 : i32
    %while3A_249 = arith.divsi %while3A_246, %while3A_248 : i32
    %while3A_250 = arith.muli %while3A_249, %while3A_248 : i32
    %while3A_251 = arith.addi %while3A_244, %while3A_250 : i32
    %while3A_252 = arith.constant 1 : i32
    %while3A_253 = scf.for %while3A_378 = %while3A_244 to %while3A_251 step %while3A_252 iter_args(%while3A_379 = %while3A_245) -> (i32)  : i32 {
      %mul3A_380 = arith.constant 16 : i32
      %mul3A_381 = arith.muli %while3A_378, %mul3A_380 : i32
      %add3A_382 = arith.constant 528 : i32
      %add3A_383 = arith.addi %add3A_382, %mul3A_381 : i32
      %get3A_384 = arith.index_cast %add3A_383 : i32 to index
      %get3A_385 = tpu.vector_load %arg9[%get3A_384] {strides = array<i32>} : memref<2112xi32, #tpu.memory_space<vmem>>, vector<16xi32>,
      %mul3A_386 = arith.constant 16 : i32
      %mul3A_387 = arith.muli %while3A_378, %mul3A_386 : i32
      %add3A_388 = arith.addi %mul3A_121, %mul3A_387 : i32
      %dma_wait3A = arith.constant 0 : i32
      %dma_wait3A_389 = tpu.memref_slice %arg11[%add3A_388, %dma_wait3A] : memref<576x128xf32, #tpu.memory_space<vmem>> -> memref<16x128xf32, #tpu.memory_space<vmem>>
      %dma_wait3A_390 = arith.constant 0 : i32
      %dma_wait3A_391 = arith.constant 0 : i32
      %dma_wait3A_392 = tpu.memref_slice %arg3[%dma_wait3A_390, %dma_wait3A_391] : memref<16384x128xf32, #tpu.memory_space<hbm>> -> memref<16384x128xf32, #tpu.memory_space<hbm>>
      tpu.wait_indirect_dma semaphore(%arg12 : memref<!tpu.dma_semaphore, #tpu.memory_space<semaphore_mem>>) src(%dma_wait3A_392 : memref<16384x128xf32, #tpu.memory_space<hbm>>) dst(%dma_wait3A_389 : memref<16x128xf32, #tpu.memory_space<vmem>>)
      %while3A_393 = arith.constant 0 : i32
      scf.yield %while3A_393 : i32
    }
    %while3A_254 = arith.constant 1 : i32
    %while3A_255 = scf.for %while3A_378 = %while3A_251 to %while3A_247 step %while3A_254 iter_args(%while3A_379 = %while3A_253) -> (i32)  : i32 {
      %mul3A_380 = arith.constant 16 : i32
      %mul3A_381 = arith.muli %while3A_378, %mul3A_380 : i32
      %add3A_382 = arith.constant 528 : i32
      %add3A_383 = arith.addi %add3A_382, %mul3A_381 : i32
      %get3A_384 = arith.index_cast %add3A_383 : i32 to index
      %get3A_385 = tpu.vector_load %arg9[%get3A_384] {strides = array<i32>} : memref<2112xi32, #tpu.memory_space<vmem>>, vector<16xi32>,
      %mul3A_386 = arith.constant 16 : i32
      %mul3A_387 = arith.muli %while3A_378, %mul3A_386 : i32
      %add3A_388 = arith.addi %mul3A_121, %mul3A_387 : i32
      %dma_wait3A = arith.constant 0 : i32
      %dma_wait3A_389 = tpu.memref_slice %arg11[%add3A_388, %dma_wait3A] : memref<576x128xf32, #tpu.memory_space<vmem>> -> memref<16x128xf32, #tpu.memory_space<vmem>>
      %dma_wait3A_390 = arith.constant 0 : i32
      %dma_wait3A_391 = arith.constant 0 : i32
      %dma_wait3A_392 = tpu.memref_slice %arg3[%dma_wait3A_390, %dma_wait3A_391] : memref<16384x128xf32, #tpu.memory_space<hbm>> -> memref<16384x128xf32, #tpu.memory_space<hbm>>
      tpu.wait_indirect_dma semaphore(%arg12 : memref<!tpu.dma_semaphore, #tpu.memory_space<semaphore_mem>>) src(%dma_wait3A_392 : memref<16384x128xf32, #tpu.memory_space<hbm>>) dst(%dma_wait3A_389 : memref<16x128xf32, #tpu.memory_space<vmem>>)
      %while3A_393 = arith.constant 0 : i32
      scf.yield %while3A_393 : i32
    }
    %while3A_256 = arith.constant 0 : i32
    %while3A_257 = arith.constant 0 : i32
    %while3A_258 = arith.subi %select_n3A_93, %while3A_256 : i32
    %while3A_259 = arith.addi %while3A_256, %while3A_258 : i32
    %while3A_260 = arith.constant 1 : i32
    %while3A_261 = arith.divsi %while3A_258, %while3A_260 : i32
    %while3A_262 = arith.muli %while3A_261, %while3A_260 : i32
    %while3A_263 = arith.addi %while3A_256, %while3A_262 : i32
    %while3A_264 = arith.constant 1 : i32
    %while3A_265 = scf.for %while3A_378 = %while3A_256 to %while3A_263 step %while3A_264 iter_args(%while3A_379 = %while3A_257) -> (i32)  : i32 {
      %mul3A_380 = arith.constant 16 : i32
      %mul3A_381 = arith.muli %while3A_378, %mul3A_380 : i32
      %add3A_382 = arith.constant 1056 : i32
      %add3A_383 = arith.addi %add3A_382, %mul3A_381 : i32
      %get3A_384 = arith.index_cast %add3A_383 : i32 to index
      %get3A_385 = tpu.vector_load %arg9[%get3A_384] {strides = array<i32>} : memref<2112xi32, #tpu.memory_space<vmem>>, vector<16xi32>,
      %mul3A_386 = arith.constant 16 : i32
      %mul3A_387 = arith.muli %while3A_378, %mul3A_386 : i32
      %add3A_388 = arith.addi %mul3A_124, %mul3A_387 : i32
      %dma_wait3A = arith.constant 0 : i32
      %dma_wait3A_389 = tpu.memref_slice %arg11[%add3A_388, %dma_wait3A] : memref<576x128xf32, #tpu.memory_space<vmem>> -> memref<16x128xf32, #tpu.memory_space<vmem>>
      %dma_wait3A_390 = arith.constant 0 : i32
      %dma_wait3A_391 = arith.constant 0 : i32
      %dma_wait3A_392 = tpu.memref_slice %arg4[%dma_wait3A_390, %dma_wait3A_391] : memref<16384x128xf32, #tpu.memory_space<hbm>> -> memref<16384x128xf32, #tpu.memory_space<hbm>>
      tpu.wait_indirect_dma semaphore(%arg12 : memref<!tpu.dma_semaphore, #tpu.memory_space<semaphore_mem>>) src(%dma_wait3A_392 : memref<16384x128xf32, #tpu.memory_space<hbm>>) dst(%dma_wait3A_389 : memref<16x128xf32, #tpu.memory_space<vmem>>)
      %while3A_393 = arith.constant 0 : i32
      scf.yield %while3A_393 : i32
    }
    %while3A_266 = arith.constant 1 : i32
    %while3A_267 = scf.for %while3A_378 = %while3A_263 to %while3A_259 step %while3A_266 iter_args(%while3A_379 = %while3A_265) -> (i32)  : i32 {
      %mul3A_380 = arith.constant 16 : i32
      %mul3A_381 = arith.muli %while3A_378, %mul3A_380 : i32
      %add3A_382 = arith.constant 1056 : i32
      %add3A_383 = arith.addi %add3A_382, %mul3A_381 : i32
      %get3A_384 = arith.index_cast %add3A_383 : i32 to index
      %get3A_385 = tpu.vector_load %arg9[%get3A_384] {strides = array<i32>} : memref<2112xi32, #tpu.memory_space<vmem>>, vector<16xi32>,
      %mul3A_386 = arith.constant 16 : i32
      %mul3A_387 = arith.muli %while3A_378, %mul3A_386 : i32
      %add3A_388 = arith.addi %mul3A_124, %mul3A_387 : i32
      %dma_wait3A = arith.constant 0 : i32
      %dma_wait3A_389 = tpu.memref_slice %arg11[%add3A_388, %dma_wait3A] : memref<576x128xf32, #tpu.memory_space<vmem>> -> memref<16x128xf32, #tpu.memory_space<vmem>>
      %dma_wait3A_390 = arith.constant 0 : i32
      %dma_wait3A_391 = arith.constant 0 : i32
      %dma_wait3A_392 = tpu.memref_slice %arg4[%dma_wait3A_390, %dma_wait3A_391] : memref<16384x128xf32, #tpu.memory_space<hbm>> -> memref<16384x128xf32, #tpu.memory_space<hbm>>
      tpu.wait_indirect_dma semaphore(%arg12 : memref<!tpu.dma_semaphore, #tpu.memory_space<semaphore_mem>>) src(%dma_wait3A_392 : memref<16384x128xf32, #tpu.memory_space<hbm>>) dst(%dma_wait3A_389 : memref<16x128xf32, #tpu.memory_space<vmem>>)
      %while3A_393 = arith.constant 0 : i32
      scf.yield %while3A_393 : i32
    }
    %while3A_268 = arith.constant 0 : i32
    %while3A_269 = arith.constant 0 : i32
    %while3A_270 = arith.subi %select_n3A_119, %while3A_268 : i32
    %while3A_271 = arith.addi %while3A_268, %while3A_270 : i32
    %while3A_272 = arith.constant 1 : i32
    %while3A_273 = arith.divsi %while3A_270, %while3A_272 : i32
    %while3A_274 = arith.muli %while3A_273, %while3A_272 : i32
    %while3A_275 = arith.addi %while3A_268, %while3A_274 : i32
    %while3A_276 = arith.constant 1 : i32
    %while3A_277 = scf.for %while3A_378 = %while3A_268 to %while3A_275 step %while3A_276 iter_args(%while3A_379 = %while3A_269) -> (i32)  : i32 {
      %mul3A_380 = arith.constant 16 : i32
      %mul3A_381 = arith.muli %while3A_378, %mul3A_380 : i32
      %add3A_382 = arith.constant 1584 : i32
      %add3A_383 = arith.addi %add3A_382, %mul3A_381 : i32
      %get3A_384 = arith.index_cast %add3A_383 : i32 to index
      %get3A_385 = tpu.vector_load %arg9[%get3A_384] {strides = array<i32>} : memref<2112xi32, #tpu.memory_space<vmem>>, vector<16xi32>,
      %mul3A_386 = arith.constant 16 : i32
      %mul3A_387 = arith.muli %while3A_378, %mul3A_386 : i32
      %add3A_388 = arith.addi %mul3A_128, %mul3A_387 : i32
      %dma_wait3A = arith.constant 0 : i32
      %dma_wait3A_389 = tpu.memref_slice %arg11[%add3A_388, %dma_wait3A] : memref<576x128xf32, #tpu.memory_space<vmem>> -> memref<16x128xf32, #tpu.memory_space<vmem>>
      %dma_wait3A_390 = arith.constant 0 : i32
      %dma_wait3A_391 = arith.constant 0 : i32
      %dma_wait3A_392 = tpu.memref_slice %arg5[%dma_wait3A_390, %dma_wait3A_391] : memref<16384x128xf32, #tpu.memory_space<hbm>> -> memref<16384x128xf32, #tpu.memory_space<hbm>>
      tpu.wait_indirect_dma semaphore(%arg12 : memref<!tpu.dma_semaphore, #tpu.memory_space<semaphore_mem>>) src(%dma_wait3A_392 : memref<16384x128xf32, #tpu.memory_space<hbm>>) dst(%dma_wait3A_389 : memref<16x128xf32, #tpu.memory_space<vmem>>)
      %while3A_393 = arith.constant 0 : i32
      scf.yield %while3A_393 : i32
    }
    %while3A_278 = arith.constant 1 : i32
    %while3A_279 = scf.for %while3A_378 = %while3A_275 to %while3A_271 step %while3A_278 iter_args(%while3A_379 = %while3A_277) -> (i32)  : i32 {
      %mul3A_380 = arith.constant 16 : i32
      %mul3A_381 = arith.muli %while3A_378, %mul3A_380 : i32
      %add3A_382 = arith.constant 1584 : i32
      %add3A_383 = arith.addi %add3A_382, %mul3A_381 : i32
      %get3A_384 = arith.index_cast %add3A_383 : i32 to index
      %get3A_385 = tpu.vector_load %arg9[%get3A_384] {strides = array<i32>} : memref<2112xi32, #tpu.memory_space<vmem>>, vector<16xi32>,
      %mul3A_386 = arith.constant 16 : i32
      %mul3A_387 = arith.muli %while3A_378, %mul3A_386 : i32
      %add3A_388 = arith.addi %mul3A_128, %mul3A_387 : i32
      %dma_wait3A = arith.constant 0 : i32
      %dma_wait3A_389 = tpu.memref_slice %arg11[%add3A_388, %dma_wait3A] : memref<576x128xf32, #tpu.memory_space<vmem>> -> memref<16x128xf32, #tpu.memory_space<vmem>>
      %dma_wait3A_390 = arith.constant 0 : i32
      %dma_wait3A_391 = arith.constant 0 : i32
      %dma_wait3A_392 = tpu.memref_slice %arg5[%dma_wait3A_390, %dma_wait3A_391] : memref<16384x128xf32, #tpu.memory_space<hbm>> -> memref<16384x128xf32, #tpu.memory_space<hbm>>
      tpu.wait_indirect_dma semaphore(%arg12 : memref<!tpu.dma_semaphore, #tpu.memory_space<semaphore_mem>>) src(%dma_wait3A_392 : memref<16384x128xf32, #tpu.memory_space<hbm>>) dst(%dma_wait3A_389 : memref<16x128xf32, #tpu.memory_space<vmem>>)
      %while3A_393 = arith.constant 0 : i32
      scf.yield %while3A_393 : i32
    }
    %while3A_280 = arith.constant 0 : i32
    %while3A_281 = arith.constant 0 : i32
    %while3A_282 = arith.constant 0 : i32
    %while3A_283 = arith.subi %select_n3A, %while3A_281 : i32
    %while3A_284 = arith.addi %while3A_281, %while3A_283 : i32
    %while3A_285 = arith.constant 1 : i32
    %while3A_286 = arith.divsi %while3A_283, %while3A_285 : i32
    %while3A_287 = arith.muli %while3A_286, %while3A_285 : i32
    %while3A_288 = arith.addi %while3A_281, %while3A_287 : i32
    %while3A_289 = arith.constant 1 : i32
    %while3A_290 = scf.for %while3A_378 = %while3A_281 to %while3A_288 step %while3A_289 iter_args(%while3A_379 = %while3A_282) -> (i32)  : i32 {
      %mul3A_380 = arith.constant 16 : i32
      %mul3A_381 = arith.muli %while3A_378, %mul3A_380 : i32
      %add3A_382 = arith.constant 0 : i32
      %add3A_383 = arith.addi %add3A_382, %mul3A_381 : i32
      %get3A_384 = arith.index_cast %add3A_383 : i32 to index
      %get3A_385 = tpu.vector_load %arg9[%get3A_384] {strides = array<i32>} : memref<2112xi32, #tpu.memory_space<vmem>>, vector<16xi32>,
      %mul3A_386 = arith.constant 16 : i32
      %mul3A_387 = arith.muli %while3A_378, %mul3A_386 : i32
      %add3A_388 = arith.addi %while3A_280, %mul3A_387 : i32
      %dma_start3A = arith.constant 0 : i32
      %dma_start3A_389 = tpu.memref_slice %arg11[%add3A_388, %dma_start3A] : memref<576x128xf32, #tpu.memory_space<vmem>> -> memref<16x128xf32, #tpu.memory_space<vmem>>
      %dma_start3A_390 = arith.constant 0 : i32
      %dma_start3A_391 = arith.constant 0 : i32
      %dma_start3A_392 = tpu.memref_slice %arg7[%dma_start3A_390, %dma_start3A_391] : memref<16384x128xf32, #tpu.memory_space<hbm>> -> memref<16384x128xf32, #tpu.memory_space<hbm>>
      tpu.enqueue_indirect_dma source(%dma_start3A_389 : memref<16x128xf32, #tpu.memory_space<vmem>>) target(%dma_start3A_392 : memref<16384x128xf32, #tpu.memory_space<hbm>>) offsets(%get3A_385 : vector<16xi32>) semaphore(%arg13 : memref<!tpu.dma_semaphore, #tpu.memory_space<semaphore_mem>>)
      %while3A_393 = arith.constant 0 : i32
      scf.yield %while3A_393 : i32
    }
    %while3A_291 = arith.constant 1 : i32
    %while3A_292 = scf.for %while3A_378 = %while3A_288 to %while3A_284 step %while3A_291 iter_args(%while3A_379 = %while3A_290) -> (i32)  : i32 {
      %mul3A_380 = arith.constant 16 : i32
      %mul3A_381 = arith.muli %while3A_378, %mul3A_380 : i32
      %add3A_382 = arith.constant 0 : i32
      %add3A_383 = arith.addi %add3A_382, %mul3A_381 : i32
      %get3A_384 = arith.index_cast %add3A_383 : i32 to index
      %get3A_385 = tpu.vector_load %arg9[%get3A_384] {strides = array<i32>} : memref<2112xi32, #tpu.memory_space<vmem>>, vector<16xi32>,
      %mul3A_386 = arith.constant 16 : i32
      %mul3A_387 = arith.muli %while3A_378, %mul3A_386 : i32
      %add3A_388 = arith.addi %while3A_280, %mul3A_387 : i32
      %dma_start3A = arith.constant 0 : i32
      %dma_start3A_389 = tpu.memref_slice %arg11[%add3A_388, %dma_start3A] : memref<576x128xf32, #tpu.memory_space<vmem>> -> memref<16x128xf32, #tpu.memory_space<vmem>>
      %dma_start3A_390 = arith.constant 0 : i32
      %dma_start3A_391 = arith.constant 0 : i32
      %dma_start3A_392 = tpu.memref_slice %arg7[%dma_start3A_390, %dma_start3A_391] : memref<16384x128xf32, #tpu.memory_space<hbm>> -> memref<16384x128xf32, #tpu.memory_space<hbm>>
      tpu.enqueue_indirect_dma source(%dma_start3A_389 : memref<16x128xf32, #tpu.memory_space<vmem>>) target(%dma_start3A_392 : memref<16384x128xf32, #tpu.memory_space<hbm>>) offsets(%get3A_385 : vector<16xi32>) semaphore(%arg13 : memref<!tpu.dma_semaphore, #tpu.memory_space<semaphore_mem>>)
      %while3A_393 = arith.constant 0 : i32
      scf.yield %while3A_393 : i32
    }
    %while3A_293 = arith.constant 0 : i32
    %while3A_294 = arith.constant 0 : i32
    %while3A_295 = arith.subi %select_n3A_67, %while3A_293 : i32
    %while3A_296 = arith.addi %while3A_293, %while3A_295 : i32
    %while3A_297 = arith.constant 1 : i32
    %while3A_298 = arith.divsi %while3A_295, %while3A_297 : i32
    %while3A_299 = arith.muli %while3A_298, %while3A_297 : i32
    %while3A_300 = arith.addi %while3A_293, %while3A_299 : i32
    %while3A_301 = arith.constant 1 : i32
    %while3A_302 = scf.for %while3A_378 = %while3A_293 to %while3A_300 step %while3A_301 iter_args(%while3A_379 = %while3A_294) -> (i32)  : i32 {
      %mul3A_380 = arith.constant 16 : i32
      %mul3A_381 = arith.muli %while3A_378, %mul3A_380 : i32
      %add3A_382 = arith.constant 528 : i32
      %add3A_383 = arith.addi %add3A_382, %mul3A_381 : i32
      %get3A_384 = arith.index_cast %add3A_383 : i32 to index
      %get3A_385 = tpu.vector_load %arg9[%get3A_384] {strides = array<i32>} : memref<2112xi32, #tpu.memory_space<vmem>>, vector<16xi32>,
      %mul3A_386 = arith.constant 16 : i32
      %mul3A_387 = arith.muli %while3A_378, %mul3A_386 : i32
      %add3A_388 = arith.addi %mul3A_121, %mul3A_387 : i32
      %dma_start3A = arith.constant 0 : i32
      %dma_start3A_389 = tpu.memref_slice %arg11[%add3A_388, %dma_start3A] : memref<576x128xf32, #tpu.memory_space<vmem>> -> memref<16x128xf32, #tpu.memory_space<vmem>>
      %dma_start3A_390 = arith.constant 0 : i32
      %dma_start3A_391 = arith.constant 0 : i32
      %dma_start3A_392 = tpu.memref_slice %arg7[%dma_start3A_390, %dma_start3A_391] : memref<16384x128xf32, #tpu.memory_space<hbm>> -> memref<16384x128xf32, #tpu.memory_space<hbm>>
      tpu.enqueue_indirect_dma source(%dma_start3A_389 : memref<16x128xf32, #tpu.memory_space<vmem>>) target(%dma_start3A_392 : memref<16384x128xf32, #tpu.memory_space<hbm>>) offsets(%get3A_385 : vector<16xi32>) semaphore(%arg13 : memref<!tpu.dma_semaphore, #tpu.memory_space<semaphore_mem>>)
      %while3A_393 = arith.constant 0 : i32
      scf.yield %while3A_393 : i32
    }
    %while3A_303 = arith.constant 1 : i32
    %while3A_304 = scf.for %while3A_378 = %while3A_300 to %while3A_296 step %while3A_303 iter_args(%while3A_379 = %while3A_302) -> (i32)  : i32 {
      %mul3A_380 = arith.constant 16 : i32
      %mul3A_381 = arith.muli %while3A_378, %mul3A_380 : i32
      %add3A_382 = arith.constant 528 : i32
      %add3A_383 = arith.addi %add3A_382, %mul3A_381 : i32
      %get3A_384 = arith.index_cast %add3A_383 : i32 to index
      %get3A_385 = tpu.vector_load %arg9[%get3A_384] {strides = array<i32>} : memref<2112xi32, #tpu.memory_space<vmem>>, vector<16xi32>,
      %mul3A_386 = arith.constant 16 : i32
      %mul3A_387 = arith.muli %while3A_378, %mul3A_386 : i32
      %add3A_388 = arith.addi %mul3A_121, %mul3A_387 : i32
      %dma_start3A = arith.constant 0 : i32
      %dma_start3A_389 = tpu.memref_slice %arg11[%add3A_388, %dma_start3A] : memref<576x128xf32, #tpu.memory_space<vmem>> -> memref<16x128xf32, #tpu.memory_space<vmem>>
      %dma_start3A_390 = arith.constant 0 : i32
      %dma_start3A_391 = arith.constant 0 : i32
      %dma_start3A_392 = tpu.memref_slice %arg7[%dma_start3A_390, %dma_start3A_391] : memref<16384x128xf32, #tpu.memory_space<hbm>> -> memref<16384x128xf32, #tpu.memory_space<hbm>>
      tpu.enqueue_indirect_dma source(%dma_start3A_389 : memref<16x128xf32, #tpu.memory_space<vmem>>) target(%dma_start3A_392 : memref<16384x128xf32, #tpu.memory_space<hbm>>) offsets(%get3A_385 : vector<16xi32>) semaphore(%arg13 : memref<!tpu.dma_semaphore, #tpu.memory_space<semaphore_mem>>)
      %while3A_393 = arith.constant 0 : i32
      scf.yield %while3A_393 : i32
    }
    %while3A_305 = arith.constant 0 : i32
    %while3A_306 = arith.constant 0 : i32
    %while3A_307 = arith.subi %select_n3A_93, %while3A_305 : i32
    %while3A_308 = arith.addi %while3A_305, %while3A_307 : i32
    %while3A_309 = arith.constant 1 : i32
    %while3A_310 = arith.divsi %while3A_307, %while3A_309 : i32
    %while3A_311 = arith.muli %while3A_310, %while3A_309 : i32
    %while3A_312 = arith.addi %while3A_305, %while3A_311 : i32
    %while3A_313 = arith.constant 1 : i32
    %while3A_314 = scf.for %while3A_378 = %while3A_305 to %while3A_312 step %while3A_313 iter_args(%while3A_379 = %while3A_306) -> (i32)  : i32 {
      %mul3A_380 = arith.constant 16 : i32
      %mul3A_381 = arith.muli %while3A_378, %mul3A_380 : i32
      %add3A_382 = arith.constant 1056 : i32
      %add3A_383 = arith.addi %add3A_382, %mul3A_381 : i32
      %get3A_384 = arith.index_cast %add3A_383 : i32 to index
      %get3A_385 = tpu.vector_load %arg9[%get3A_384] {strides = array<i32>} : memref<2112xi32, #tpu.memory_space<vmem>>, vector<16xi32>,
      %mul3A_386 = arith.constant 16 : i32
      %mul3A_387 = arith.muli %while3A_378, %mul3A_386 : i32
      %add3A_388 = arith.addi %mul3A_124, %mul3A_387 : i32
      %dma_start3A = arith.constant 0 : i32
      %dma_start3A_389 = tpu.memref_slice %arg11[%add3A_388, %dma_start3A] : memref<576x128xf32, #tpu.memory_space<vmem>> -> memref<16x128xf32, #tpu.memory_space<vmem>>
      %dma_start3A_390 = arith.constant 0 : i32
      %dma_start3A_391 = arith.constant 0 : i32
      %dma_start3A_392 = tpu.memref_slice %arg7[%dma_start3A_390, %dma_start3A_391] : memref<16384x128xf32, #tpu.memory_space<hbm>> -> memref<16384x128xf32, #tpu.memory_space<hbm>>
      tpu.enqueue_indirect_dma source(%dma_start3A_389 : memref<16x128xf32, #tpu.memory_space<vmem>>) target(%dma_start3A_392 : memref<16384x128xf32, #tpu.memory_space<hbm>>) offsets(%get3A_385 : vector<16xi32>) semaphore(%arg13 : memref<!tpu.dma_semaphore, #tpu.memory_space<semaphore_mem>>)
      %while3A_393 = arith.constant 0 : i32
      scf.yield %while3A_393 : i32
    }
    %while3A_315 = arith.constant 1 : i32
    %while3A_316 = scf.for %while3A_378 = %while3A_312 to %while3A_308 step %while3A_315 iter_args(%while3A_379 = %while3A_314) -> (i32)  : i32 {
      %mul3A_380 = arith.constant 16 : i32
      %mul3A_381 = arith.muli %while3A_378, %mul3A_380 : i32
      %add3A_382 = arith.constant 1056 : i32
      %add3A_383 = arith.addi %add3A_382, %mul3A_381 : i32
      %get3A_384 = arith.index_cast %add3A_383 : i32 to index
      %get3A_385 = tpu.vector_load %arg9[%get3A_384] {strides = array<i32>} : memref<2112xi32, #tpu.memory_space<vmem>>, vector<16xi32>,
      %mul3A_386 = arith.constant 16 : i32
      %mul3A_387 = arith.muli %while3A_378, %mul3A_386 : i32
      %add3A_388 = arith.addi %mul3A_124, %mul3A_387 : i32
      %dma_start3A = arith.constant 0 : i32
      %dma_start3A_389 = tpu.memref_slice %arg11[%add3A_388, %dma_start3A] : memref<576x128xf32, #tpu.memory_space<vmem>> -> memref<16x128xf32, #tpu.memory_space<vmem>>
      %dma_start3A_390 = arith.constant 0 : i32
      %dma_start3A_391 = arith.constant 0 : i32
      %dma_start3A_392 = tpu.memref_slice %arg7[%dma_start3A_390, %dma_start3A_391] : memref<16384x128xf32, #tpu.memory_space<hbm>> -> memref<16384x128xf32, #tpu.memory_space<hbm>>
      tpu.enqueue_indirect_dma source(%dma_start3A_389 : memref<16x128xf32, #tpu.memory_space<vmem>>) target(%dma_start3A_392 : memref<16384x128xf32, #tpu.memory_space<hbm>>) offsets(%get3A_385 : vector<16xi32>) semaphore(%arg13 : memref<!tpu.dma_semaphore, #tpu.memory_space<semaphore_mem>>)
      %while3A_393 = arith.constant 0 : i32
      scf.yield %while3A_393 : i32
    }
    %while3A_317 = arith.constant 0 : i32
    %while3A_318 = arith.constant 0 : i32
    %while3A_319 = arith.subi %select_n3A_119, %while3A_317 : i32
    %while3A_320 = arith.addi %while3A_317, %while3A_319 : i32
    %while3A_321 = arith.constant 1 : i32
    %while3A_322 = arith.divsi %while3A_319, %while3A_321 : i32
    %while3A_323 = arith.muli %while3A_322, %while3A_321 : i32
    %while3A_324 = arith.addi %while3A_317, %while3A_323 : i32
    %while3A_325 = arith.constant 1 : i32
    %while3A_326 = scf.for %while3A_378 = %while3A_317 to %while3A_324 step %while3A_325 iter_args(%while3A_379 = %while3A_318) -> (i32)  : i32 {
      %mul3A_380 = arith.constant 16 : i32
      %mul3A_381 = arith.muli %while3A_378, %mul3A_380 : i32
      %add3A_382 = arith.constant 1584 : i32
      %add3A_383 = arith.addi %add3A_382, %mul3A_381 : i32
      %get3A_384 = arith.index_cast %add3A_383 : i32 to index
      %get3A_385 = tpu.vector_load %arg9[%get3A_384] {strides = array<i32>} : memref<2112xi32, #tpu.memory_space<vmem>>, vector<16xi32>,
      %mul3A_386 = arith.constant 16 : i32
      %mul3A_387 = arith.muli %while3A_378, %mul3A_386 : i32
      %add3A_388 = arith.addi %mul3A_128, %mul3A_387 : i32
      %dma_start3A = arith.constant 0 : i32
      %dma_start3A_389 = tpu.memref_slice %arg11[%add3A_388, %dma_start3A] : memref<576x128xf32, #tpu.memory_space<vmem>> -> memref<16x128xf32, #tpu.memory_space<vmem>>
      %dma_start3A_390 = arith.constant 0 : i32
      %dma_start3A_391 = arith.constant 0 : i32
      %dma_start3A_392 = tpu.memref_slice %arg7[%dma_start3A_390, %dma_start3A_391] : memref<16384x128xf32, #tpu.memory_space<hbm>> -> memref<16384x128xf32, #tpu.memory_space<hbm>>
      tpu.enqueue_indirect_dma source(%dma_start3A_389 : memref<16x128xf32, #tpu.memory_space<vmem>>) target(%dma_start3A_392 : memref<16384x128xf32, #tpu.memory_space<hbm>>) offsets(%get3A_385 : vector<16xi32>) semaphore(%arg13 : memref<!tpu.dma_semaphore, #tpu.memory_space<semaphore_mem>>)
      %while3A_393 = arith.constant 0 : i32
      scf.yield %while3A_393 : i32
    }
    %while3A_327 = arith.constant 1 : i32
    %while3A_328 = scf.for %while3A_378 = %while3A_324 to %while3A_320 step %while3A_327 iter_args(%while3A_379 = %while3A_326) -> (i32)  : i32 {
      %mul3A_380 = arith.constant 16 : i32
      %mul3A_381 = arith.muli %while3A_378, %mul3A_380 : i32
      %add3A_382 = arith.constant 1584 : i32
      %add3A_383 = arith.addi %add3A_382, %mul3A_381 : i32
      %get3A_384 = arith.index_cast %add3A_383 : i32 to index
      %get3A_385 = tpu.vector_load %arg9[%get3A_384] {strides = array<i32>} : memref<2112xi32, #tpu.memory_space<vmem>>, vector<16xi32>,
      %mul3A_386 = arith.constant 16 : i32
      %mul3A_387 = arith.muli %while3A_378, %mul3A_386 : i32
      %add3A_388 = arith.addi %mul3A_128, %mul3A_387 : i32
      %dma_start3A = arith.constant 0 : i32
      %dma_start3A_389 = tpu.memref_slice %arg11[%add3A_388, %dma_start3A] : memref<576x128xf32, #tpu.memory_space<vmem>> -> memref<16x128xf32, #tpu.memory_space<vmem>>
      %dma_start3A_390 = arith.constant 0 : i32
      %dma_start3A_391 = arith.constant 0 : i32
      %dma_start3A_392 = tpu.memref_slice %arg7[%dma_start3A_390, %dma_start3A_391] : memref<16384x128xf32, #tpu.memory_space<hbm>> -> memref<16384x128xf32, #tpu.memory_space<hbm>>
      tpu.enqueue_indirect_dma source(%dma_start3A_389 : memref<16x128xf32, #tpu.memory_space<vmem>>) target(%dma_start3A_392 : memref<16384x128xf32, #tpu.memory_space<hbm>>) offsets(%get3A_385 : vector<16xi32>) semaphore(%arg13 : memref<!tpu.dma_semaphore, #tpu.memory_space<semaphore_mem>>)
      %while3A_393 = arith.constant 0 : i32
      scf.yield %while3A_393 : i32
    }
    %while3A_329 = arith.constant 0 : i32
    %while3A_330 = arith.constant 0 : i32
    %while3A_331 = arith.constant 0 : i32
    %while3A_332 = arith.subi %select_n3A, %while3A_330 : i32
    %while3A_333 = arith.addi %while3A_330, %while3A_332 : i32
    %while3A_334 = arith.constant 1 : i32
    %while3A_335 = arith.divsi %while3A_332, %while3A_334 : i32
    %while3A_336 = arith.muli %while3A_335, %while3A_334 : i32
    %while3A_337 = arith.addi %while3A_330, %while3A_336 : i32
    %while3A_338 = arith.constant 1 : i32
    %while3A_339 = scf.for %while3A_378 = %while3A_330 to %while3A_337 step %while3A_338 iter_args(%while3A_379 = %while3A_331) -> (i32)  : i32 {
      %mul3A_380 = arith.constant 16 : i32
      %mul3A_381 = arith.muli %while3A_378, %mul3A_380 : i32
      %add3A_382 = arith.constant 0 : i32
      %add3A_383 = arith.addi %add3A_382, %mul3A_381 : i32
      %get3A_384 = arith.index_cast %add3A_383 : i32 to index
      %get3A_385 = tpu.vector_load %arg9[%get3A_384] {strides = array<i32>} : memref<2112xi32, #tpu.memory_space<vmem>>, vector<16xi32>,
      %mul3A_386 = arith.constant 16 : i32
      %mul3A_387 = arith.muli %while3A_378, %mul3A_386 : i32
      %add3A_388 = arith.addi %while3A_329, %mul3A_387 : i32
      %dma_wait3A = arith.constant 0 : i32
      %dma_wait3A_389 = tpu.memref_slice %arg11[%add3A_388, %dma_wait3A] : memref<576x128xf32, #tpu.memory_space<vmem>> -> memref<16x128xf32, #tpu.memory_space<vmem>>
      %dma_wait3A_390 = arith.constant 0 : i32
      %dma_wait3A_391 = arith.constant 0 : i32
      %dma_wait3A_392 = tpu.memref_slice %arg7[%dma_wait3A_390, %dma_wait3A_391] : memref<16384x128xf32, #tpu.memory_space<hbm>> -> memref<16384x128xf32, #tpu.memory_space<hbm>>
      tpu.wait_indirect_dma semaphore(%arg13 : memref<!tpu.dma_semaphore, #tpu.memory_space<semaphore_mem>>) src(%dma_wait3A_389 : memref<16x128xf32, #tpu.memory_space<vmem>>) dst(%dma_wait3A_392 : memref<16384x128xf32, #tpu.memory_space<hbm>>)
      %while3A_393 = arith.constant 0 : i32
      scf.yield %while3A_393 : i32
    }
    %while3A_340 = arith.constant 1 : i32
    %while3A_341 = scf.for %while3A_378 = %while3A_337 to %while3A_333 step %while3A_340 iter_args(%while3A_379 = %while3A_339) -> (i32)  : i32 {
      %mul3A_380 = arith.constant 16 : i32
      %mul3A_381 = arith.muli %while3A_378, %mul3A_380 : i32
      %add3A_382 = arith.constant 0 : i32
      %add3A_383 = arith.addi %add3A_382, %mul3A_381 : i32
      %get3A_384 = arith.index_cast %add3A_383 : i32 to index
      %get3A_385 = tpu.vector_load %arg9[%get3A_384] {strides = array<i32>} : memref<2112xi32, #tpu.memory_space<vmem>>, vector<16xi32>,
      %mul3A_386 = arith.constant 16 : i32
      %mul3A_387 = arith.muli %while3A_378, %mul3A_386 : i32
      %add3A_388 = arith.addi %while3A_329, %mul3A_387 : i32
      %dma_wait3A = arith.constant 0 : i32
      %dma_wait3A_389 = tpu.memref_slice %arg11[%add3A_388, %dma_wait3A] : memref<576x128xf32, #tpu.memory_space<vmem>> -> memref<16x128xf32, #tpu.memory_space<vmem>>
      %dma_wait3A_390 = arith.constant 0 : i32
      %dma_wait3A_391 = arith.constant 0 : i32
      %dma_wait3A_392 = tpu.memref_slice %arg7[%dma_wait3A_390, %dma_wait3A_391] : memref<16384x128xf32, #tpu.memory_space<hbm>> -> memref<16384x128xf32, #tpu.memory_space<hbm>>
      tpu.wait_indirect_dma semaphore(%arg13 : memref<!tpu.dma_semaphore, #tpu.memory_space<semaphore_mem>>) src(%dma_wait3A_389 : memref<16x128xf32, #tpu.memory_space<vmem>>) dst(%dma_wait3A_392 : memref<16384x128xf32, #tpu.memory_space<hbm>>)
      %while3A_393 = arith.constant 0 : i32
      scf.yield %while3A_393 : i32
    }
    %while3A_342 = arith.constant 0 : i32
    %while3A_343 = arith.constant 0 : i32
    %while3A_344 = arith.subi %select_n3A_67, %while3A_342 : i32
    %while3A_345 = arith.addi %while3A_342, %while3A_344 : i32
    %while3A_346 = arith.constant 1 : i32
    %while3A_347 = arith.divsi %while3A_344, %while3A_346 : i32
    %while3A_348 = arith.muli %while3A_347, %while3A_346 : i32
    %while3A_349 = arith.addi %while3A_342, %while3A_348 : i32
    %while3A_350 = arith.constant 1 : i32
    %while3A_351 = scf.for %while3A_378 = %while3A_342 to %while3A_349 step %while3A_350 iter_args(%while3A_379 = %while3A_343) -> (i32)  : i32 {
      %mul3A_380 = arith.constant 16 : i32
      %mul3A_381 = arith.muli %while3A_378, %mul3A_380 : i32
      %add3A_382 = arith.constant 528 : i32
      %add3A_383 = arith.addi %add3A_382, %mul3A_381 : i32
      %get3A_384 = arith.index_cast %add3A_383 : i32 to index
      %get3A_385 = tpu.vector_load %arg9[%get3A_384] {strides = array<i32>} : memref<2112xi32, #tpu.memory_space<vmem>>, vector<16xi32>,
      %mul3A_386 = arith.constant 16 : i32
      %mul3A_387 = arith.muli %while3A_378, %mul3A_386 : i32
      %add3A_388 = arith.addi %mul3A_121, %mul3A_387 : i32
      %dma_wait3A = arith.constant 0 : i32
      %dma_wait3A_389 = tpu.memref_slice %arg11[%add3A_388, %dma_wait3A] : memref<576x128xf32, #tpu.memory_space<vmem>> -> memref<16x128xf32, #tpu.memory_space<vmem>>
      %dma_wait3A_390 = arith.constant 0 : i32
      %dma_wait3A_391 = arith.constant 0 : i32
      %dma_wait3A_392 = tpu.memref_slice %arg7[%dma_wait3A_390, %dma_wait3A_391] : memref<16384x128xf32, #tpu.memory_space<hbm>> -> memref<16384x128xf32, #tpu.memory_space<hbm>>
      tpu.wait_indirect_dma semaphore(%arg13 : memref<!tpu.dma_semaphore, #tpu.memory_space<semaphore_mem>>) src(%dma_wait3A_389 : memref<16x128xf32, #tpu.memory_space<vmem>>) dst(%dma_wait3A_392 : memref<16384x128xf32, #tpu.memory_space<hbm>>)
      %while3A_393 = arith.constant 0 : i32
      scf.yield %while3A_393 : i32
    }
    %while3A_352 = arith.constant 1 : i32
    %while3A_353 = scf.for %while3A_378 = %while3A_349 to %while3A_345 step %while3A_352 iter_args(%while3A_379 = %while3A_351) -> (i32)  : i32 {
      %mul3A_380 = arith.constant 16 : i32
      %mul3A_381 = arith.muli %while3A_378, %mul3A_380 : i32
      %add3A_382 = arith.constant 528 : i32
      %add3A_383 = arith.addi %add3A_382, %mul3A_381 : i32
      %get3A_384 = arith.index_cast %add3A_383 : i32 to index
      %get3A_385 = tpu.vector_load %arg9[%get3A_384] {strides = array<i32>} : memref<2112xi32, #tpu.memory_space<vmem>>, vector<16xi32>,
      %mul3A_386 = arith.constant 16 : i32
      %mul3A_387 = arith.muli %while3A_378, %mul3A_386 : i32
      %add3A_388 = arith.addi %mul3A_121, %mul3A_387 : i32
      %dma_wait3A = arith.constant 0 : i32
      %dma_wait3A_389 = tpu.memref_slice %arg11[%add3A_388, %dma_wait3A] : memref<576x128xf32, #tpu.memory_space<vmem>> -> memref<16x128xf32, #tpu.memory_space<vmem>>
      %dma_wait3A_390 = arith.constant 0 : i32
      %dma_wait3A_391 = arith.constant 0 : i32
      %dma_wait3A_392 = tpu.memref_slice %arg7[%dma_wait3A_390, %dma_wait3A_391] : memref<16384x128xf32, #tpu.memory_space<hbm>> -> memref<16384x128xf32, #tpu.memory_space<hbm>>
      tpu.wait_indirect_dma semaphore(%arg13 : memref<!tpu.dma_semaphore, #tpu.memory_space<semaphore_mem>>) src(%dma_wait3A_389 : memref<16x128xf32, #tpu.memory_space<vmem>>) dst(%dma_wait3A_392 : memref<16384x128xf32, #tpu.memory_space<hbm>>)
      %while3A_393 = arith.constant 0 : i32
      scf.yield %while3A_393 : i32
    }
    %while3A_354 = arith.constant 0 : i32
    %while3A_355 = arith.constant 0 : i32
    %while3A_356 = arith.subi %select_n3A_93, %while3A_354 : i32
    %while3A_357 = arith.addi %while3A_354, %while3A_356 : i32
    %while3A_358 = arith.constant 1 : i32
    %while3A_359 = arith.divsi %while3A_356, %while3A_358 : i32
    %while3A_360 = arith.muli %while3A_359, %while3A_358 : i32
    %while3A_361 = arith.addi %while3A_354, %while3A_360 : i32
    %while3A_362 = arith.constant 1 : i32
    %while3A_363 = scf.for %while3A_378 = %while3A_354 to %while3A_361 step %while3A_362 iter_args(%while3A_379 = %while3A_355) -> (i32)  : i32 {
      %mul3A_380 = arith.constant 16 : i32
      %mul3A_381 = arith.muli %while3A_378, %mul3A_380 : i32
      %add3A_382 = arith.constant 1056 : i32
      %add3A_383 = arith.addi %add3A_382, %mul3A_381 : i32
      %get3A_384 = arith.index_cast %add3A_383 : i32 to index
      %get3A_385 = tpu.vector_load %arg9[%get3A_384] {strides = array<i32>} : memref<2112xi32, #tpu.memory_space<vmem>>, vector<16xi32>,
      %mul3A_386 = arith.constant 16 : i32
      %mul3A_387 = arith.muli %while3A_378, %mul3A_386 : i32
      %add3A_388 = arith.addi %mul3A_124, %mul3A_387 : i32
      %dma_wait3A = arith.constant 0 : i32
      %dma_wait3A_389 = tpu.memref_slice %arg11[%add3A_388, %dma_wait3A] : memref<576x128xf32, #tpu.memory_space<vmem>> -> memref<16x128xf32, #tpu.memory_space<vmem>>
      %dma_wait3A_390 = arith.constant 0 : i32
      %dma_wait3A_391 = arith.constant 0 : i32
      %dma_wait3A_392 = tpu.memref_slice %arg7[%dma_wait3A_390, %dma_wait3A_391] : memref<16384x128xf32, #tpu.memory_space<hbm>> -> memref<16384x128xf32, #tpu.memory_space<hbm>>
      tpu.wait_indirect_dma semaphore(%arg13 : memref<!tpu.dma_semaphore, #tpu.memory_space<semaphore_mem>>) src(%dma_wait3A_389 : memref<16x128xf32, #tpu.memory_space<vmem>>) dst(%dma_wait3A_392 : memref<16384x128xf32, #tpu.memory_space<hbm>>)
      %while3A_393 = arith.constant 0 : i32
      scf.yield %while3A_393 : i32
    }
    %while3A_364 = arith.constant 1 : i32
    %while3A_365 = scf.for %while3A_378 = %while3A_361 to %while3A_357 step %while3A_364 iter_args(%while3A_379 = %while3A_363) -> (i32)  : i32 {
      %mul3A_380 = arith.constant 16 : i32
      %mul3A_381 = arith.muli %while3A_378, %mul3A_380 : i32
      %add3A_382 = arith.constant 1056 : i32
      %add3A_383 = arith.addi %add3A_382, %mul3A_381 : i32
      %get3A_384 = arith.index_cast %add3A_383 : i32 to index
      %get3A_385 = tpu.vector_load %arg9[%get3A_384] {strides = array<i32>} : memref<2112xi32, #tpu.memory_space<vmem>>, vector<16xi32>,
      %mul3A_386 = arith.constant 16 : i32
      %mul3A_387 = arith.muli %while3A_378, %mul3A_386 : i32
      %add3A_388 = arith.addi %mul3A_124, %mul3A_387 : i32
      %dma_wait3A = arith.constant 0 : i32
      %dma_wait3A_389 = tpu.memref_slice %arg11[%add3A_388, %dma_wait3A] : memref<576x128xf32, #tpu.memory_space<vmem>> -> memref<16x128xf32, #tpu.memory_space<vmem>>
      %dma_wait3A_390 = arith.constant 0 : i32
      %dma_wait3A_391 = arith.constant 0 : i32
      %dma_wait3A_392 = tpu.memref_slice %arg7[%dma_wait3A_390, %dma_wait3A_391] : memref<16384x128xf32, #tpu.memory_space<hbm>> -> memref<16384x128xf32, #tpu.memory_space<hbm>>
      tpu.wait_indirect_dma semaphore(%arg13 : memref<!tpu.dma_semaphore, #tpu.memory_space<semaphore_mem>>) src(%dma_wait3A_389 : memref<16x128xf32, #tpu.memory_space<vmem>>) dst(%dma_wait3A_392 : memref<16384x128xf32, #tpu.memory_space<hbm>>)
      %while3A_393 = arith.constant 0 : i32
      scf.yield %while3A_393 : i32
    }
    %while3A_366 = arith.constant 0 : i32
    %while3A_367 = arith.constant 0 : i32
    %while3A_368 = arith.subi %select_n3A_119, %while3A_366 : i32
    %while3A_369 = arith.addi %while3A_366, %while3A_368 : i32
    %while3A_370 = arith.constant 1 : i32
    %while3A_371 = arith.divsi %while3A_368, %while3A_370 : i32
    %while3A_372 = arith.muli %while3A_371, %while3A_370 : i32
    %while3A_373 = arith.addi %while3A_366, %while3A_372 : i32
    %while3A_374 = arith.constant 1 : i32
    %while3A_375 = scf.for %while3A_378 = %while3A_366 to %while3A_373 step %while3A_374 iter_args(%while3A_379 = %while3A_367) -> (i32)  : i32 {
      %mul3A_380 = arith.constant 16 : i32
      %mul3A_381 = arith.muli %while3A_378, %mul3A_380 : i32
      %add3A_382 = arith.constant 1584 : i32
      %add3A_383 = arith.addi %add3A_382, %mul3A_381 : i32
      %get3A_384 = arith.index_cast %add3A_383 : i32 to index
      %get3A_385 = tpu.vector_load %arg9[%get3A_384] {strides = array<i32>} : memref<2112xi32, #tpu.memory_space<vmem>>, vector<16xi32>,
      %mul3A_386 = arith.constant 16 : i32
      %mul3A_387 = arith.muli %while3A_378, %mul3A_386 : i32
      %add3A_388 = arith.addi %mul3A_128, %mul3A_387 : i32
      %dma_wait3A = arith.constant 0 : i32
      %dma_wait3A_389 = tpu.memref_slice %arg11[%add3A_388, %dma_wait3A] : memref<576x128xf32, #tpu.memory_space<vmem>> -> memref<16x128xf32, #tpu.memory_space<vmem>>
      %dma_wait3A_390 = arith.constant 0 : i32
      %dma_wait3A_391 = arith.constant 0 : i32
      %dma_wait3A_392 = tpu.memref_slice %arg7[%dma_wait3A_390, %dma_wait3A_391] : memref<16384x128xf32, #tpu.memory_space<hbm>> -> memref<16384x128xf32, #tpu.memory_space<hbm>>
      tpu.wait_indirect_dma semaphore(%arg13 : memref<!tpu.dma_semaphore, #tpu.memory_space<semaphore_mem>>) src(%dma_wait3A_389 : memref<16x128xf32, #tpu.memory_space<vmem>>) dst(%dma_wait3A_392 : memref<16384x128xf32, #tpu.memory_space<hbm>>)
      %while3A_393 = arith.constant 0 : i32
      scf.yield %while3A_393 : i32
    }
    %while3A_376 = arith.constant 1 : i32
    %while3A_377 = scf.for %while3A_378 = %while3A_373 to %while3A_369 step %while3A_376 iter_args(%while3A_379 = %while3A_375) -> (i32)  : i32 {
      %mul3A_380 = arith.constant 16 : i32
      %mul3A_381 = arith.muli %while3A_378, %mul3A_380 : i32
      %add3A_382 = arith.constant 1584 : i32
      %add3A_383 = arith.addi %add3A_382, %mul3A_381 : i32
      %get3A_384 = arith.index_cast %add3A_383 : i32 to index
      %get3A_385 = tpu.vector_load %arg9[%get3A_384] {strides = array<i32>} : memref<2112xi32, #tpu.memory_space<vmem>>, vector<16xi32>,
      %mul3A_386 = arith.constant 16 : i32
      %mul3A_387 = arith.muli %while3A_378, %mul3A_386 : i32
      %add3A_388 = arith.addi %mul3A_128, %mul3A_387 : i32
      %dma_wait3A = arith.constant 0 : i32
      %dma_wait3A_389 = tpu.memref_slice %arg11[%add3A_388, %dma_wait3A] : memref<576x128xf32, #tpu.memory_space<vmem>> -> memref<16x128xf32, #tpu.memory_space<vmem>>
      %dma_wait3A_390 = arith.constant 0 : i32
      %dma_wait3A_391 = arith.constant 0 : i32
      %dma_wait3A_392 = tpu.memref_slice %arg7[%dma_wait3A_390, %dma_wait3A_391] : memref<16384x128xf32, #tpu.memory_space<hbm>> -> memref<16384x128xf32, #tpu.memory_space<hbm>>
      tpu.wait_indirect_dma semaphore(%arg13 : memref<!tpu.dma_semaphore, #tpu.memory_space<semaphore_mem>>) src(%dma_wait3A_389 : memref<16x128xf32, #tpu.memory_space<vmem>>) dst(%dma_wait3A_392 : memref<16384x128xf32, #tpu.memory_space<hbm>>)
      %while3A_393 = arith.constant 0 : i32
      scf.yield %while3A_393 : i32
    }
    return
  }
}

</mosaic_0001>

<sc_bundles>
// kernel: kernel.3.cloned.1.call-start
scs
__scs_entry_jumppad:
0x0: {  	(pc) =	sbr.rel $0x88, $3  }
0x1: {  	(tag) =	ssettag $0x0;
	lr =	simm.s32 $0x1  }
0x2: {  	[smem:$0x3F9C] =	sst lr;
	_ =	strace $0xD0000000  }
0x3: {  	_ = 	snop  }
0x4: {  	_ = 	snop  }
0x5: {  	_ = 	snop  }
0x6: {  	_ = 	snop  }
0x7: {  	_ = 	snop  }
__scs_overlays_trampoline_lowered:
0x8: {  	[smem:$0x3FAB] =	sst s0  }
0x9: {  	[smem:$0x3FAC] =	sst s1  }
0xa: {  	[smem:$0x3FAD] =	sst s2  }
0xb: {  	[smem:$0x3FAE] =	sst s3  }
0xc: {  	[smem:$0x3FAF] =	sst s4  }
0xd: {  	[smem:$0x3FB0] =	sst s5  }
0xe: {  	[smem:$0x3FB1] =	sst s6  }
0xf: {  	[smem:$0x3FB2] =	sst s7  }
0x10: {  	[smem:$0x3FB3] =	sst s8  }
0x11: {  	[smem:$0x3FB4] =	sst s9;
	s0 =	simm.s32 @!p0 $0x0  }
0x12: {  	s1 =	sld [smem:$0x3F9A];
	s0 =	simm.s32 @p0 $0x1  }
0x13: {  	[smem:$0x3FB5] =	sst s0;
	s0 =	simm.s32 @!p1 $0x0  }
0x14: {  	s2 =	sld [smem:$0x3F99];
	s0 =	simm.s32 @p1 $0x1  }
0x15: {  	[smem:$0x3FB6] =	sst s0;
	s0 =	simm.s32 @!p2 $0x0  }
0x16: {  	s3 =	sld [smem:$0x3FDB];
	s0 =	simm.s32 @p2 $0x1  }
0x17: {  	s4 =	simm.s32 $0x1BF5;
	[smem:$0x3FB8] =	sst s0  }
0x18: {  	s0 =	sld [smem:$0x3F9B];
	_ =	swait.ge [sflag:s4], $0x0  }
0x19: {  	s7 =	sld [smem:$0x3F9C]  }
0x1a: {  	s8 =	sadd.s32 $0xFFFFE003, lr  }
0x1b: {  	s9 =	sadd.s32 $0xFFFFFEF7, lr;
	s5 =	simm.s32 $0xFFFFFFFF;
	p2 =	slt.u32 s8, $0xFFFFF086  }
0x1c: {  	p1 =	slt.u32 s9, $0xF7A;
	s5 =	simm.s32 @!p2 $0x0  }
0x1d: {  	s5 =	simm.s32 @p1 $0x1;
	p0 =	seq.s32 s7, s2  }
0x1e: {  	s7 =	smul.u32 @!p0 $0xF7A, s2;
	p2 =	seq.s32 @!p0 s5, $0x0  }
0x1f: {  	s9 =	smul.u32 $0xF7A, s1;
	s8 =	simm.s32 @!p0 $0x1BF5;
	p2 =	por !p2, p0  }
0x20: {  	[sflag:s8] =	ssyncset.s32 @!p0 $0xFFFFF086;
	s6 =	sadd.s32 @!p0 s3, s7;
	s7 =	simm.s32 @!p0 $0x108  }
0x21: {  	s3 =	sadd.s32 s3, s9;
	s6 =	sadd.s32 @!p0 $0x88, s6;
	s7 =	simm.s32 @p2 $0x1082  }
0x22: {  	[simem:s7], [sflag:s8] =	dma.local @!p0 [hbm:s6], $0xF7A  }
0x23: {  	s9 =	sor.u32 $0xD0000000, s2;
	s6 =	simm.s32 $0x108;
	_ =	swait.ge @!p0 [sflag:s8], $0x0  }
0x24: {  	s3 =	sadd.s32 $0x88, s3;
	s6 =	simm.s32 @!p1 $0x1082;
	[sflag:s4] =	ssyncset.s32 $0xFFFFF086  }
0x25: {  	[simem:s6], [sflag:s4] =	dma.local [hbm:s3], $0xF7A  }
0x26: {  	[smem:$0x3F9C] =	sst s1;
	(tag) =	ssettag s2;
	_ =	strace s9  }
0x27: {  	s1 =	sld [smem:$0x3FAC]  }
0x28: {  	s2 =	sld [smem:$0x3FAD]  }
0x29: {  	s4 =	sld [smem:$0x3FAF]  }
0x2a: {  	p0 =	seq.s32 s5, $0x0;
	s5 =	sld [smem:$0x3FB0]  }
0x2b: {  	s6 =	sld [smem:$0x3FB1]  }
0x2c: {  	s7 =	sld [smem:$0x3FB2]  }
0x2d: {  	s3 =	simm.s32 $0x108;
	s8 =	sld [smem:$0x3FB3]  }
0x2e: {  	s3 =	simm.s32 @!p0 $0x1082;
	s9 =	sld [smem:$0x3FB4]  }
0x2f: {  	lr =	sadd.s32 s0, s3;
	s0 =	sld [smem:$0x3FAB]  }
0x30: {  	s3 =	sld [smem:$0x3FAE]  }
0x31: {  	[smem:$0x3FB7] =	sst s10  }
0x32: {  	s10 =	sld [smem:$0x3FB5];
	_ =	sdelay $0x3  }
0x33: {  	p0 =	seq.s32 s10, $0x1;
	s10 =	sld [smem:$0x3FB7];
	_ =	sdelay $0x3  }
0x34: {  	[smem:$0x3FB7] =	sst s10  }
0x35: {  	s10 =	sld [smem:$0x3FB6];
	_ =	sdelay $0x3  }
0x36: {  	p1 =	seq.s32 s10, $0x1;
	s10 =	sld [smem:$0x3FB7];
	_ =	sdelay $0x3  }
0x37: {  	[smem:$0x3FB7] =	sst s10  }
0x38: {  	s10 =	sld [smem:$0x3FB8]  }
0x39: {  	_ = 	snop;
	(pc) =	sbr.ind lr, $3  }
0x3a: {  	_ = 	snop  }
0x3b: {  	_ = 	snop  }
0x3c: {  	p2 =	seq.s32 s10, $0x1;
	s10 =	sld [smem:$0x3FB7]  }
0x3d: {  	_ =	shalt  }
0x3e: {  	_ =	shalt  }
0x3f: {  	_ =	shalt  }
0x40: {  	_ =	shalt  }
0x41: {  	_ =	shalt  }
0x42: {  	_ =	shalt  }
0x43: {  	_ =	shalt  }
0x44: {  	_ =	shalt  }
0x45: {  	_ =	shalt  }
0x46: {  	_ =	shalt  }
0x47: {  	_ =	shalt  }
0x48: {  	_ =	shalt  }
0x49: {  	_ =	shalt  }
0x4a: {  	_ =	shalt  }
0x4b: {  	_ =	shalt  }
0x4c: {  	_ =	shalt  }
0x4d: {  	_ =	shalt  }
0x4e: {  	_ =	shalt  }
0x4f: {  	_ =	shalt  }
0x50: {  	_ =	shalt  }
0x51: {  	_ =	shalt  }
0x52: {  	_ =	shalt  }
0x53: {  	_ =	shalt  }
0x54: {  	_ =	shalt  }
0x55: {  	_ =	shalt  }
0x56: {  	_ =	shalt  }
0x57: {  	_ =	shalt  }
0x58: {  	_ =	shalt  }
0x59: {  	_ =	shalt  }
0x5a: {  	_ =	shalt  }
0x5b: {  	_ =	shalt  }
0x5c: {  	_ =	shalt  }
0x5d: {  	_ =	shalt  }
0x5e: {  	_ =	shalt  }
0x5f: {  	_ =	shalt  }
0x60: {  	_ =	shalt  }
0x61: {  	_ =	shalt  }
0x62: {  	_ =	shalt  }
0x63: {  	_ =	shalt  }
0x64: {  	_ =	shalt  }
0x65: {  	_ =	shalt  }
0x66: {  	_ =	shalt  }
0x67: {  	_ =	shalt  }
0x68: {  	_ =	shalt  }
0x69: {  	_ =	shalt  }
0x6a: {  	_ =	shalt  }
0x6b: {  	_ =	shalt  }
0x6c: {  	_ =	shalt  }
0x6d: {  	_ =	shalt  }
0x6e: {  	_ =	shalt  }
0x6f: {  	_ =	shalt  }
0x70: {  	_ =	shalt  }
0x71: {  	_ =	shalt  }
0x72: {  	_ =	shalt  }
0x73: {  	_ =	shalt  }
0x74: {  	_ =	shalt  }
0x75: {  	_ =	shalt  }
0x76: {  	_ =	shalt  }
0x77: {  	_ =	shalt  }
0x78: {  	_ =	shalt  }
0x79: {  	_ =	shalt  }
0x7a: {  	_ =	shalt  }
0x7b: {  	_ =	shalt  }
0x7c: {  	_ =	shalt  }
0x7d: {  	_ =	shalt  }
0x7e: {  	_ =	shalt  }
0x7f: {  	_ =	shalt  }
0x80: {  	_ =	shalt  }
0x81: {  	_ =	shalt  }
0x82: {  	_ =	shalt  }
0x83: {  	_ =	shalt  }
0x84: {  	_ =	shalt  }
0x85: {  	_ =	shalt  }
0x86: {  	_ =	shalt  }
0x87: {  	_ =	shalt  }
.Lfunc_end0:
.L_simem_size_0:
called_computation_lowered:
.L_overlay_start_0:
0x88: {  	s2 =	sld [smem:$0x3FD9]  }
0x89: {  	s3 =	sld [smem:$0x3FFE];
	_ =	sdelay $0x1  }
0x8a: {  	s1 =	srdreg.scid  }
0x8b: {  	s0 =	sand.u32 $0x1, s1  }
0x8c: {  	s18 =	sshll.u32 s0, $0xA;
	s2 =	sadd.s32 s3, s2  }
0x8d: {  	s2 =	sadd.s32 s2, s18  }
0x8e: {  	[smem:$0x3FC3] =	sst s2  }
0x8f: {  	_ = 	snop  }
0x90: {  	s2 =	sld [smem:$0x3FC9]  }
0x91: {  	s19 =	sld [smem:$0x3FC8]  }
0x92: {  	s4 =	sld [smem:$0x3FC7]  }
0x93: {  	s5 =	sld [smem:$0x3FC6]  }
0x94: {  	s6 =	sld [smem:$0x3FC5]  }
0x95: {  	s7 =	sld [smem:$0x3FD0];
	(tm) =	ssettm $0x1  }
0x96: {  	s8 =	sld [smem:$0x3FFB];
	_ =	sdelay $0x3  }
0x97: {  	_ =	strace s8  }
0x98: {  	s8 =	sld [smem:$0x3FFC];
	_ =	sdelay $0x3  }
0x99: {  	_ =	strace s8  }
0x9a: {  	s8 =	sld [smem:$0x3FFD];
	_ =	sdelay $0x3  }
0x9b: {  	_ =	strace s8  }
0x9c: {  	_ =	strace $0x8FFFFFFF  }
0x9d: {  	s20 =	sld [smem:$0x3FDB];
	_ =	sdelay $0x1  }
0x9e: {  	s9 =	simm.s32 $_scs_section_size  }
0x9f: {  	s10 =	simm.s32 $_size__tile_overlayer_lowered;
	s11 =	simm.s32 $_tile_overlayer_lowered  }
0xa0: {  	s23 =	simm.s32 $0x1BFF;
	s22 =	sshll.u32 s11, $0x1;
	s8 =	sadd.s32 s9, s20  }
0xa1: {  	s12 =	simm.s32 $0x0;
	s21 =	sshll.u32 s10, $0x1;
	s10 =	sadd.s32 s22, s8  }
0xa2: {  	[timem:s12], [sflag:s23] =	dma.local [hbm:s10], s21  }
0xa3: {  	_ =	swait.ge [sflag:s23], s21  }
0xa4: {  	s9 =	ssub.s32 $0x0, s21;
	[sflag:s23] =	ssyncset.done $0x0  }
0xa5: {  	[sflag:s23] =	ssyncadd.s32 s9;
	_ =	sdelay $0x1  }
0xa6: {  	s24 =	simm.s32 $0x1B8B  }
0xa7: {  	_ =	swait.ge [sflag:s24], $0x1  }
0xa8: {  	[sflag:s24] =	ssyncset.done $0x0  }
0xa9: {  	s25 =	simm.s32 $0x1B8E;
	[sflag:s24] =	ssyncadd.s32 $0xFFFFFFFF  }
0xaa: {  	s26 =	simm.s32 $execute0_lowered;
	[smem:$0x3FD2] =	sst s25  }
0xab: {  	s9 =	sshll.u32 s26, $0x1;
	_ =	strace $0x80000046;
	[dreg:$0x1] =	wrdreg $0xFFFFFFFF  }
0xac: {  	s28 =	simm.s32 $_size_execute0_lowered;
	s8 =	sadd.s32 s8, s9;
	[dreg:$0x0] =	wrdreg $0x0  }
0xad: {  	s9 =	sshll.u32 s28, $0x1;
	[dreg:$0x2] =	wrdreg s8  }
0xae: {  	[dreg:$0x3] =	wrdreg s9  }
0xaf: {  	[dreg:$0x4] =	wrdreg $0xC0  }
0xb0: {  	_ =	task [dreg:s12], $0x5FFFF  }
0xb1: {  	[dreg:$0x1] =	wrdreg $0xFFFFFFFF  }
0xb2: {  	[dreg:$0x0] =	wrdreg $0x60  }
0xb3: {  	[dreg:$0x2] =	wrdreg s2  }
0xb4: {  	[dreg:$0x3] =	wrdreg s19  }
0xb5: {  	[dreg:$0x4] =	wrdreg s4  }
0xb6: {  	[dreg:$0x5] =	wrdreg s5  }
0xb7: {  	[dreg:$0x6] =	wrdreg s6  }
0xb8: {  	[dreg:$0x7] =	wrdreg s7  }
0xb9: {  	[dreg:$0x8] =	wrdreg $0x9  }
0xba: {  	_ =	task.clear_ibuf [dreg:s12], $0x9FFFF;
	_ =	strace $0x90000046  }
0xbb: {  	s29 =	simm.s32 $0x9;
	_ =	strace $0x80000048  }
0xbc: {  	_ =	swait.ge [sflag:s29], $0x1  }
0xbd: {  	[sflag:s29] =	ssyncadd.s32 $0xFFFFFFFF  }
0xbe: {  	_ =	strace $0x90000048  }
0xbf: {  	_ =	sfence  }
0xc0: {  	s30 =	sld [smem:$0x0];
	_ =	sdelay $0x2  }
0xc1: {  	s31 =	sshll.u32 s1, $0xD;
	s1 =	sshrl.u32 s1, $0x2  }
0xc2: {  	s3 =	sand.u32 $0x4000, s31;
	s1 =	sadd.s32 s1, s30  }
0xc3: {  	s0 =	sor.u32 s3, s0;
	s1 =	sshll.u32 s1, $0x11  }
0xc4: {  	s0 =	sor.u32 s1, s0  }
0xc5: {  	s0 =	sadd.s32 $0x8F2B, s0  }
0xc6: {  	[sflag:s0] =	ssyncadd.remote.s32 $0x1  }
0xc7: {  	_ =	sfence.sel $0xFFFF  }
0xc8: {  	[dreg:$0x0] =	wrdreg $0xFFFFFFFF;
	(pc) =	sbr.abs _section_cstart, $3  }
0xc9: {  	[dreg:$0x1] =	wrdreg $0xFFFFFFFF  }
0xca: {  	_ =	task.clear_ibuf [dreg:s12], $0x2FFFF;
	_ =	strace $0x9FFFFFFF  }
0xcb: {  	(tm) =	ssettm $0x7FFFFFFF  }
tec
execute0_lowered:
.L_overlay_start_1:
0x0: {  	(tag) =	ssettag $0x1  }
0x1: {  	s1 =	rddreg [dreg:$0x0]  }
0x2: {  	s2 =	rddreg [dreg:$0x1]  }
0x3: {  	s3 =	rddreg [dreg:$0x2]  }
0x4: {  	s4 =	rddreg [dreg:$0x3]  }
0x5: {  	s9 =	rddreg [dreg:$0x4]  }
0x6: {  	s5 =	rddreg [dreg:$0x5];
	s6 =	simm.s32 $0x0  }
0x7: {  	[smem:$0x7FF] =	sst s6  }
0x8: {  	s0 =	rddreg [dreg:$0x6];
	v0 =	vimm.s32 $0x0;
	_ =	strace $0x80000047  }
0x9: {  	(xrf1) =	vunique.msk.u32 $0xffff, v0;
	_ =	sdelay $0x8  }
0xa: {  	s8 =	srdreg.scid  }
0xb: {  	s7 =	stileid.u32;
	s13 =	simm.s32 $0x200;
	s14 =	simm.s32 $0x1  }
.Ltmp0:
0xc: {  	s15 =	simm.s32 $0x2;
	s8 =	sand.u32 $0x1, s8;
	(pc) =	sbr.rel .LBB2_1-.Ltmp0, $4  }
0xd: {  	s11 =	sshll.u32 s7, $0xA;
	s10 =	ssub.s32 $0x2, s8;
	s8 =	sshll.u32 s8, $0x9  }
0xe: {  	s16 =	simm.s32 $0x0;
	s12 =	sshrl.u32 s10, $0x1;
	s8 =	sor.u32 s8, s11  }
0xf: {  	s10 =	ssub.s32 s10, s12;
	s11 =	sshrl.u32 s8, $0x3;
	s12 =	simm.s32 $0xA40;
	_, v1, _ =	vpop (xrf1)  }
0x10: {  	v2 =	vlaneseq.u32;
	vm0 =	vmmov $0xffff;
	s9 =	sadd.s32 s9, s11;
	s10 =	smax.u32 s10, $0x1;
	s11 =	simm.s32 $0x3;
	v1 =	vbroadcast v1, $0x0  }
.LBB2_81:
0x11: {  	[sflag:s15] =	ssyncadd.s32 $0xFFFFF800  }
.LBB2_82:
0x12: {  	s16 =	sadd.s32 $0x1, s16  }
0x13: {  	p0 =	sne.s32 s16, s10  }
.Ltmp1:
0x14: {  	_ = 	snop;
	(pc) =	sbr.rel @!p0 .LBB2_83-.Ltmp1, $1  }
0x15: {  	_ =	sdelay $0x3  }
.LBB2_1:
0x16: {  	[tilespmem:s6], [sflag:$0x3] =	stream.linear.gather [hbm4b:s9+s6], $0x200, $0x38;
	[tilespmem:$0x12A50] =	vst v63  }
0x17: {  	_ =	swait.ge [sflag:s11], $0x200  }
0x18: {  	[sflag:s11] =	ssyncset.done $0x0  }
0x19: {  	[sflag:s11] =	ssyncadd.s32 $0xFFFFFE00  }
0x1a: {  	s17 =	simm.s32 $0x0;
	[tilespmem:$0xA40] =	vst v0  }
0x1b: {  	v3 =	vld [tilespmem:s17+$0x0];
	_ =	sdelay $0x4  }
0x1c: {  	(xrf1) =	vunique.msk.u32 $0xffff, v3;
	_ =	sdelay $0xa  }
0x1d: {  	v4 =	vld.idx.msk [tilespmem:v3+s12+$0x0], $0xffff;
	_ =	sdelay $0x2  }
0x1e: {  	_, v5, vm1 =	vpop (xrf1)  }
0x1f: {  	v6 =	vmul.u32 $0x210, v3;
	v5 =	vsub.s32 v5, v1  }
0x20: {  	v4 =	vadd.s32 v4, v5  }
0x21: {  	v5 =	vadd.s32 v6, v4;
	_ =	sdelay $0x3  }
0x22: {  	v63 =	vor.u32 s8, v2  }
0x23: {  	v4 =	vadd.s32 $0x1, v4;
	[tilespmem:v5+s13+$0x0] =	vst.idx.msk $0xffff, v63  }
0x24: {  	s31 =	simm.s32 $0x10;
	[tilespmem:v3+s12+$0x0] =	vst.idx.msk vm1, v4  }
0x25: {  	s18 =	simm.s32 $0x80;
	s17 =	smov.u32 s8;
	v3 =	vld [tilespmem:s31+$0x0]  }
.LBB2_2:
0x26: {  	p0 =	sne.s32 s18, $0x7C0;
	_ =	sdelay $0x3  }
0x27: {  	(xrf1) =	vunique.msk.u32 $0xffff, v3;
	_ =	sdelay $0x9  }
0x28: {  	v4 =	vld.idx.msk [tilespmem:v3+s12+$0x0], $0xffff;
	_ =	sdelay $0x3  }
0x29: {  	_, v5, vm1 =	vpop (xrf1)  }
0x2a: {  	v6 =	vmul.u32 $0x210, v3;
	v5 =	vsub.s32 v5, v1  }
0x2b: {  	v4 =	vadd.s32 v4, v5  }
0x2c: {  	v5 =	vadd.s32 v6, v4;
	v4 =	vadd.s32 $0x1, v4;
	_ =	sdelay $0x2  }
.Ltmp2:
0x2d: {  	s17 =	sadd.s32 $0x10, s17;
	(pc) =	sbr.rel @p0 .LBB2_2-.Ltmp2, $4  }
0x2e: {  	v6 =	vor.u32 s17, v2  }
0x2f: {  	[tilespmem:v5+s13+$0x0] =	vst.idx.msk $0xffff, v6  }
0x30: {  	s19 =	sshra.s32 s18, $0x2;
	[tilespmem:v3+s12+$0x0] =	vst.idx.msk vm1, v4  }
0x31: {  	s18 =	sadd.s32 $0x40, s18;
	v3 =	vld [tilespmem:s19+$0x0]  }
0x32: {  	_ =	sdelay $0x3  }
0x33: {  	(xrf1) =	vunique.msk.u32 $0xffff, v3;
	_ =	sdelay $0xa  }
0x34: {  	v4 =	vld.idx.msk [tilespmem:v3+s12+$0x0], $0xffff;
	_ =	sdelay $0x2  }
0x35: {  	_, v5, vm1 =	vpop (xrf1)  }
0x36: {  	v6 =	vmul.u32 $0x210, v3;
	v5 =	vsub.s32 v5, v1  }
0x37: {  	v4 =	vadd.s32 v4, v5  }
0x38: {  	v5 =	vadd.s32 v6, v4;
	_ =	sdelay $0x2  }
0x39: {  	s17 =	sadd.s32 $0x10, s17  }
0x3a: {  	v60 =	vor.u32 s17, v2  }
0x3b: {  	v4 =	vadd.s32 $0x1, v4;
	[tilespmem:v5+s13+$0x0] =	vst.idx.msk $0xffff, v60  }
0x3c: {  	[tilespmem:v3+s12+$0x0] =	vst.idx.msk vm1, v4  }
0x3d: {  	v3 =	vld [tilespmem:$0xA40];
	_ =	sdelay $0x4  }
0x3e: {  	(v2sf) =	vpush v3, $0x0;
	_ =	sdelay $0x6  }
0x3f: {  	(v2sf) =	vpush v3, $0x1;
	_ =	sdelay $0x5  }
0x40: {  	(v2sf) =	vpush v3, $0x2;
	_ =	sdelay $0x1  }
0x41: {  	s29 =	spop (v2sf)  }
0x42: {  	s18 =	sadd.s32 $0xFFFFFFFF, s29  }
0x43: {  	p0 =	sgt.s32 s18, $0x0  }
0x44: {  	s18 =	simm.s32 @!p0 $0x0  }
0x45: {  	(v2sf) =	vpush v3, $0x3;
	v3 =	vmov s18  }
0x46: {  	v3 =	vbroadcast v3, $0x0;
	_ =	sdelay $0x1  }
0x47: {  	s18 =	spop (v2sf)  }
0x48: {  	s19 =	sadd.s32 $0xFFFFFFFF, s18  }
0x49: {  	p0 =	sgt.s32 s19, $0x0  }
0x4a: {  	s21 =	simm.s32 $0x200;
	s19 =	simm.s32 @!p0 $0x0  }
0x4b: {  	s19 =	sadd.s32 $0x210, s19;
	v3 =	vld.idx.msk [tilespmem:v3+s21+$0x0], $0xffff  }
0x4c: {  	v61 =	vmov s19  }
0x4d: {  	s19 =	spop (v2sf)  }
0x4e: {  	s20 =	sadd.s32 $0xFFFFFFFF, s19  }
0x4f: {  	p0 =	sgt.s32 s20, $0x0  }
0x50: {  	s20 =	simm.s32 @!p0 $0x0;
	[tilespmem:s29+$0x200] =	vst v3  }
0x51: {  	s20 =	sadd.s32 $0x420, s20;
	v3 =	vld.idx.msk [tilespmem:v61+s21+$0x0], $0xffff  }
0x52: {  	v62 =	vmov s20  }
0x53: {  	s20 =	spop (v2sf)  }
0x54: {  	s22 =	sadd.s32 $0xFFFFFFFF, s20  }
0x55: {  	p0 =	sgt.s32 s22, $0x0  }
0x56: {  	s17 =	sadd.s32 $0xF, s29;
	s22 =	simm.s32 @!p0 $0x0;
	[tilespmem:s18+$0x410] =	vst v3  }
0x57: {  	s30 =	sand.u32 $0xF, s17;
	s22 =	sadd.s32 $0x630, s22;
	v3 =	vld.idx.msk [tilespmem:v62+s21+$0x0], $0xffff  }
0x58: {  	s23 =	sshra.s32 s17, $0x1F;
	p6 =	slt.s32 s17, $0x1;
	p1 =	sne.s32 s30, $0x0;
	v63 =	vmov s22  }
0x59: {  	s31 =	sshrl.u32 s23, $0x1C;
	p0 =	por !p6, !p1  }
0x5a: {  	s17 =	sadd.s32 s31, s17;
	p3 =	por !p0, !p0;
	s22 =	simm.s32 $0x1  }
0x5b: {  	s26 =	sshra.s32 s17, $0x4;
	s22 =	simm.s32 @!p3 $0x0  }
0x5c: {  	s17 =	ssub.s32 s26, s22;
	[tilespmem:s19+$0x620] =	vst v3  }
0x5d: {  	p0 =	sgt.s32 s17, $0x0;
	v3 =	vld.idx.msk [tilespmem:v63+s21+$0x0], $0xffff  }
.Ltmp3:
0x5e: {  	_ = 	snop;
	(pc) =	sbr.rel @!p0 .LBB2_4-.Ltmp3, $2  }
0x5f: {  	_ =	sdelay $0x2  }
0x60: {  	s22 =	simm.s32 $0xA50;
	[tilespmem:s20+$0x830] =	vst v3  }
0x61: {  	p2 =	seq.s32 s17, $0x1  }
.Ltmp4:
0x62: {  	_ = 	snop;
	(pc) =	sbr.rel @p2 .LBB2_8-.Ltmp4, $2  }
0x63: {  	_ =	sdelay $0x2  }
0x64: {  	v3 =	vld [tilespmem:s21+$0x0];
	s24 =	sadd.s32 $0xFFFFFFFF, s17;
	p1 =	por $0x0, $0x0  }
0x65: {  	_ =	sdelay $0x3  }
0x66: {  	p2 =	seq.s32 s24, $0x1  }
.Ltmp5:
0x67: {  	_ = 	snop;
	(pc) =	sbr.rel @p2 .LBB2_10-.Ltmp5, $4  }
0x68: {  	_ = 	snop  }
0x69: {  	s23 =	sadd.s32 $0x10, s21  }
0x6a: {  	[tilespmem:s22], [sflag:$0x1] =	stream.indirect_vreg.gather [hbm4b:s1+s6], $0x80, v3, vm0, $0xb8;
	[tilespmem:$0x12A50] =	vst v63  }
0x6b: {  	s24 =	sadd.s32 $0xFFFFFFFF, s24;
	p1 =	por $0x1, $0x1;
	s21 =	simm.s32 $0xA50;
	v3 =	vld [tilespmem:s23+$0x0]  }
.LBB2_11:
0x6c: {  	p2 =	seq.s32 s24, $0x1;
	_ =	sdelay $0x3  }
.Ltmp6:
0x6d: {  	(pc) =	sbr.rel @!p2 .LBB2_11-.Ltmp6, $4  }
0x6e: {  	_ = 	snop  }
0x6f: {  	s23 =	sadd.s32 $0x10, s23;
	s21 =	sadd.s32 $0x800, s21  }
0x70: {  	[tilespmem:s21], [sflag:$0x1] =	stream.indirect_vreg.gather [hbm4b:s1+s6], $0x80, v3, vm0, $0xb8;
	[tilespmem:$0x12A50] =	vst v63  }
0x71: {  	s24 =	sadd.s32 $0xFFFFFFFF, s24;
	v3 =	vld [tilespmem:s23+$0x0]  }
.LBB2_12:
0x72: {  	_ =	sdelay $0x5  }
0x73: {  	s21 =	sadd.s32 @p1 $0x800, s21  }
0x74: {  	s22 =	smov.u32 @p1 s21  }
0x75: {  	[tilespmem:s22], [sflag:$0x1] =	stream.indirect_vreg.gather [hbm4b:s1+s6], $0x80, v3, vm0, $0xb8;
	[tilespmem:$0x12A50] =	vst v63  }
.LBB2_4:
0x76: {  	s18 =	sadd.s32 $0xF, s18  }
0x77: {  	s21 =	sand.u32 $0xF, s18  }
0x78: {  	s22 =	sshra.s32 s18, $0x1F;
	p1 =	slt.s32 s18, $0x1;
	p2 =	sne.s32 s21, $0x0  }
0x79: {  	s30 =	sshrl.u32 s22, $0x1C;
	p1 =	por !p1, !p2  }
0x7a: {  	s21 =	simm.s32 $0x1;
	s18 =	sadd.s32 s30, s18;
	p4 =	por !p1, !p1  }
0x7b: {  	s28 =	sshra.s32 s18, $0x4;
	s21 =	simm.s32 @!p4 $0x0  }
0x7c: {  	s18 =	ssub.s32 s28, s21  }
0x7d: {  	p1 =	slt.s32 s18, $0x1  }
.Ltmp7:
0x7e: {  	_ = 	snop;
	(pc) =	sbr.rel @p1 .LBB2_13-.Ltmp7, $4  }
0x7f: {  	_ = 	snop  }
0x80: {  	s22 =	simm.s32 @!p1 $0x0  }
0x81: {  	s31 =	sshll.u32 s17, $0xD;
	s22 =	simm.s32 @p1 $0x1  }
0x82: {  	s21 =	sshra.s32 s31, $0x2;
	[smem:$0x7FD] =	sst s22  }
0x83: {  	p1 =	seq.s32 s18, $0x1  }
.Ltmp8:
0x84: {  	_ = 	snop;
	(pc) =	sbr.rel @p1 .LBB2_6-.Ltmp8, $3  }
0x85: {  	_ =	sdelay $0x1  }
0x86: {  	s23 =	simm.s32 $0x410  }
0x87: {  	s22 =	sadd.s32 $0xA50, s21;
	p2 =	por $0x0, $0x0;
	v3 =	vld [tilespmem:s23+$0x0];
	s23 =	sadd.s32 $0xFFFFFFFF, s18  }
0x88: {  	_ =	sdelay $0x3  }
0x89: {  	p1 =	seq.s32 s23, $0x1  }
.Ltmp9:
0x8a: {  	_ = 	snop;
	(pc) =	sbr.rel @p1 .LBB2_17-.Ltmp9, $4  }
0x8b: {  	_ = 	snop  }
0x8c: {  	s24 =	simm.s32 $0x420  }
0x8d: {  	[tilespmem:s22], [sflag:$0x1] =	stream.indirect_vreg.gather [hbm4b:s2+s6], $0x80, v3, vm0, $0xb8;
	[tilespmem:$0x12A50] =	vst v63  }
0x8e: {  	s25 =	sadd.s32 $0xFFFFFFFF, s23;
	p2 =	por $0x1, $0x1;
	s23 =	smov.u32 s22;
	v3 =	vld [tilespmem:s24+$0x0]  }
.LBB2_18:
0x8f: {  	p1 =	seq.s32 s25, $0x1;
	_ =	sdelay $0x3  }
.Ltmp10:
0x90: {  	(pc) =	sbr.rel @!p1 .LBB2_18-.Ltmp10, $4  }
0x91: {  	_ = 	snop  }
0x92: {  	s24 =	sadd.s32 $0x10, s24;
	s23 =	sadd.s32 $0x800, s23  }
0x93: {  	[tilespmem:s23], [sflag:$0x1] =	stream.indirect_vreg.gather [hbm4b:s2+s6], $0x80, v3, vm0, $0xb8;
	[tilespmem:$0x12A50] =	vst v63  }
0x94: {  	s25 =	sadd.s32 $0xFFFFFFFF, s25;
	v3 =	vld [tilespmem:s24+$0x0]  }
.LBB2_19:
0x95: {  	_ =	sdelay $0x5  }
0x96: {  	s23 =	sadd.s32 @p2 $0x800, s23  }
0x97: {  	s22 =	smov.u32 @p2 s23  }
0x98: {  	[tilespmem:s22], [sflag:$0x1] =	stream.indirect_vreg.gather [hbm4b:s2+s6], $0x80, v3, vm0, $0xb8;
	[tilespmem:$0x12A50] =	vst v63  }
.LBB2_13:
0x99: {  	s19 =	sadd.s32 $0xF, s19  }
0x9a: {  	s22 =	sand.u32 $0xF, s19  }
0x9b: {  	s23 =	sshra.s32 s19, $0x1F;
	p1 =	slt.s32 s19, $0x1;
	p2 =	sne.s32 s22, $0x0  }
0x9c: {  	s30 =	sshrl.u32 s23, $0x1C;
	p1 =	por !p1, !p2  }
0x9d: {  	s22 =	simm.s32 $0x1;
	s19 =	sadd.s32 s30, s19;
	p5 =	por !p1, !p1  }
0x9e: {  	s29 =	sshra.s32 s19, $0x4;
	s22 =	simm.s32 @!p5 $0x0  }
0x9f: {  	s19 =	ssub.s32 s29, s22  }
0xa0: {  	p1 =	slt.s32 s19, $0x1  }
.Ltmp11:
0xa1: {  	_ = 	snop;
	(pc) =	sbr.rel @p1 .LBB2_20-.Ltmp11, $4  }
0xa2: {  	_ = 	snop  }
0xa3: {  	s31 =	sadd.s32 s18, s17;
	s23 =	simm.s32 @!p1 $0x0  }
0xa4: {  	s22 =	sshll.u32 s31, $0xD;
	s23 =	simm.s32 @p1 $0x1  }
0xa5: {  	s22 =	sshra.s32 s22, $0x2;
	[smem:$0x7FC] =	sst s23  }
0xa6: {  	p1 =	seq.s32 s19, $0x1  }
.Ltmp12:
0xa7: {  	_ = 	snop;
	(pc) =	sbr.rel @p1 .LBB2_15-.Ltmp12, $3  }
0xa8: {  	_ =	sdelay $0x1  }
0xa9: {  	s24 =	simm.s32 $0x620  }
0xaa: {  	s23 =	sadd.s32 $0xA50, s22;
	p6 =	por $0x0, $0x0;
	v3 =	vld [tilespmem:s24+$0x0];
	s24 =	sadd.s32 $0xFFFFFFFF, s19  }
0xab: {  	_ =	sdelay $0x3  }
0xac: {  	p1 =	seq.s32 s24, $0x1  }
.Ltmp13:
0xad: {  	_ = 	snop;
	(pc) =	sbr.rel @p1 .LBB2_24-.Ltmp13, $4  }
0xae: {  	_ = 	snop  }
0xaf: {  	s25 =	simm.s32 $0x630  }
0xb0: {  	[tilespmem:s23], [sflag:$0x1] =	stream.indirect_vreg.gather [hbm4b:s3+s6], $0x80, v3, vm0, $0xb8;
	[tilespmem:$0x12A50] =	vst v63  }
0xb1: {  	s30 =	sadd.s32 $0xFFFFFFFF, s24;
	p6 =	por $0x1, $0x1;
	s24 =	smov.u32 s23;
	v3 =	vld [tilespmem:s25+$0x0]  }
.LBB2_25:
0xb2: {  	p1 =	seq.s32 s30, $0x1;
	_ =	sdelay $0x3  }
.Ltmp14:
0xb3: {  	(pc) =	sbr.rel @!p1 .LBB2_25-.Ltmp14, $4  }
0xb4: {  	_ = 	snop  }
0xb5: {  	s25 =	sadd.s32 $0x10, s25;
	s24 =	sadd.s32 $0x800, s24  }
0xb6: {  	[tilespmem:s24], [sflag:$0x1] =	stream.indirect_vreg.gather [hbm4b:s3+s6], $0x80, v3, vm0, $0xb8;
	[tilespmem:$0x12A50] =	vst v63  }
0xb7: {  	s30 =	sadd.s32 $0xFFFFFFFF, s30;
	v3 =	vld [tilespmem:s25+$0x0]  }
.LBB2_26:
0xb8: {  	_ =	sdelay $0x5  }
0xb9: {  	s24 =	sadd.s32 @p6 $0x800, s24  }
0xba: {  	s23 =	smov.u32 @p6 s24  }
0xbb: {  	[tilespmem:s23], [sflag:$0x1] =	stream.indirect_vreg.gather [hbm4b:s3+s6], $0x80, v3, vm0, $0xb8;
	[tilespmem:$0x12A50] =	vst v63  }
.LBB2_20:
0xbc: {  	s20 =	sadd.s32 $0xF, s20  }
0xbd: {  	s23 =	sand.u32 $0xF, s20  }
0xbe: {  	s24 =	sshra.s32 s20, $0x1F;
	p1 =	slt.s32 s20, $0x1;
	p6 =	sne.s32 s23, $0x0  }
0xbf: {  	s31 =	sshrl.u32 s24, $0x1C;
	p1 =	por !p1, !p6  }
0xc0: {  	s25 =	simm.s32 $0x1;
	s20 =	sadd.s32 s31, s20;
	p1 =	por !p1, !p1  }
0xc1: {  	s20 =	sshra.s32 s20, $0x4;
	s25 =	simm.s32 @!p1 $0x0  }
0xc2: {  	s23 =	simm.s32 $0xFFFFFFFF;
	s20 =	ssub.s32 s20, s25  }
0xc3: {  	s23 =	simm.s32 @!p3 $0x0;
	p3 =	slt.s32 s20, $0x1  }
.Ltmp15:
0xc4: {  	_ = 	snop;
	(pc) =	sbr.rel @p3 .LBB2_31-.Ltmp15, $3  }
0xc5: {  	_ =	sdelay $0x1  }
0xc6: {  	s26 =	sadd.s32 s28, s26;
	s24 =	simm.s32 $0xFFFFFFFF;
	s25 =	simm.s32 $0xFFFFFFFF  }
0xc7: {  	s26 =	sadd.s32 s29, s26;
	s24 =	simm.s32 @!p4 $0x0;
	s25 =	simm.s32 @!p5 $0x0  }
0xc8: {  	s28 =	sadd.s32 s23, s26;
	p1 =	seq.s32 s20, $0x1  }
.Ltmp16:
0xc9: {  	s28 =	sadd.s32 s24, s28;
	(pc) =	sbr.rel @p1 .LBB2_22-.Ltmp16, $4  }
0xca: {  	s28 =	sadd.s32 s25, s28  }
0xcb: {  	s28 =	sshll.u32 s28, $0xD  }
0xcc: {  	s29 =	simm.s32 $0x830;
	s28 =	sshra.s32 s28, $0x2  }
0xcd: {  	p4 =	por $0x0, $0x0;
	v3 =	vld [tilespmem:s29+$0x0];
	s29 =	sadd.s32 $0xFFFFFFFF, s20;
	s28 =	sadd.s32 $0xA50, s28  }
0xce: {  	_ =	sdelay $0x3  }
0xcf: {  	p1 =	seq.s32 s29, $0x1  }
.Ltmp17:
0xd0: {  	_ = 	snop;
	(pc) =	sbr.rel @p1 .LBB2_28-.Ltmp17, $4  }
0xd1: {  	_ = 	snop  }
0xd2: {  	s30 =	simm.s32 $0x840  }
0xd3: {  	[tilespmem:s28], [sflag:$0x1] =	stream.indirect_vreg.gather [hbm4b:s4+s6], $0x80, v3, vm0, $0xb8;
	[tilespmem:$0x12A50] =	vst v63  }
0xd4: {  	s31 =	sadd.s32 $0xFFFFFFFF, s29;
	p4 =	por $0x1, $0x1;
	s29 =	smov.u32 s28;
	v3 =	vld [tilespmem:s30+$0x0]  }
.LBB2_29:
0xd5: {  	p1 =	seq.s32 s31, $0x1;
	_ =	sdelay $0x3  }
.Ltmp18:
0xd6: {  	(pc) =	sbr.rel @!p1 .LBB2_29-.Ltmp18, $4  }
0xd7: {  	_ = 	snop  }
0xd8: {  	s30 =	sadd.s32 $0x10, s30;
	s29 =	sadd.s32 $0x800, s29  }
0xd9: {  	[tilespmem:s29], [sflag:$0x1] =	stream.indirect_vreg.gather [hbm4b:s4+s6], $0x80, v3, vm0, $0xb8;
	[tilespmem:$0x12A50] =	vst v63  }
0xda: {  	s31 =	sadd.s32 $0xFFFFFFFF, s31;
	v3 =	vld [tilespmem:s30+$0x0]  }
.LBB2_30:
0xdb: {  	_ =	sdelay $0x5  }
0xdc: {  	s29 =	sadd.s32 @p4 $0x800, s29  }
0xdd: {  	s28 =	smov.u32 @p4 s29  }
0xde: {  	[tilespmem:s28], [sflag:$0x1] =	stream.indirect_vreg.gather [hbm4b:s4+s6], $0x80, v3, vm0, $0xb8;
	[tilespmem:$0x12A50] =	vst v63  }
.LBB2_31:
.Ltmp19:
0xdf: {  	(pc) =	sbr.rel @!p0 .LBB2_32-.Ltmp19, $1  }
0xe0: {  	_ =	sdelay $0x3  }
0xe1: {  	p1 =	seq.s32 s17, $0x1  }
.Ltmp20:
0xe2: {  	_ = 	snop;
	(pc) =	sbr.rel @p1 .LBB2_40-.Ltmp20, $3  }
0xe3: {  	_ =	sdelay $0x1  }
0xe4: {  	_ =	swait.ge [sflag:s14], $0x800  }
0xe5: {  	s28 =	sadd.s32 $0xFFFFFFFF, s17;
	[sflag:s14] =	ssyncset.done $0x0  }
.LBB2_39:
0xe6: {  	p1 =	seq.s32 s28, $0x1;
	s28 =	sadd.s32 $0xFFFFFFFF, s28;
	[sflag:s14] =	ssyncadd.s32 $0xFFFFF800  }
.Ltmp21:
0xe7: {  	(pc) =	sbr.rel @!p1 .LBB2_39-.Ltmp21, $3  }
0xe8: {  	_ =	sdelay $0x1  }
0xe9: {  	_ =	swait.ge [sflag:s14], $0x800  }
0xea: {  	[sflag:s14] =	ssyncset.done $0x0  }
.LBB2_40:
0xeb: {  	[sflag:s14] =	ssyncadd.s32 $0xFFFFF800  }
.LBB2_32:
0xec: {  	p4 =	sgt.s32 s18, $0x0  }
.Ltmp22:
0xed: {  	_ = 	snop;
	(pc) =	sbr.rel @!p4 .LBB2_33-.Ltmp22, $1  }
0xee: {  	_ =	sdelay $0x3  }
0xef: {  	p1 =	seq.s32 s18, $0x1  }
.Ltmp23:
0xf0: {  	_ = 	snop;
	(pc) =	sbr.rel @p1 .LBB2_43-.Ltmp23, $3  }
0xf1: {  	_ =	sdelay $0x1  }
0xf2: {  	_ =	swait.ge [sflag:s14], $0x800  }
0xf3: {  	s28 =	sadd.s32 $0xFFFFFFFF, s18;
	[sflag:s14] =	ssyncset.done $0x0  }
.LBB2_42:
0xf4: {  	p1 =	seq.s32 s28, $0x1;
	s28 =	sadd.s32 $0xFFFFFFFF, s28;
	[sflag:s14] =	ssyncadd.s32 $0xFFFFF800  }
.Ltmp24:
0xf5: {  	(pc) =	sbr.rel @!p1 .LBB2_42-.Ltmp24, $3  }
0xf6: {  	_ =	sdelay $0x1  }
0xf7: {  	_ =	swait.ge [sflag:s14], $0x800  }
0xf8: {  	[sflag:s14] =	ssyncset.done $0x0  }
.LBB2_43:
0xf9: {  	[sflag:s14] =	ssyncadd.s32 $0xFFFFF800  }
.LBB2_33:
0xfa: {  	p5 =	sgt.s32 s19, $0x0  }
.Ltmp25:
0xfb: {  	_ = 	snop;
	(pc) =	sbr.rel @!p5 .LBB2_34-.Ltmp25, $1  }
0xfc: {  	_ =	sdelay $0x3  }
0xfd: {  	p1 =	seq.s32 s19, $0x1  }
.Ltmp26:
0xfe: {  	_ = 	snop;
	(pc) =	sbr.rel @p1 .LBB2_46-.Ltmp26, $3  }
0xff: {  	_ =	sdelay $0x1  }
0x100: {  	_ =	swait.ge [sflag:s14], $0x800  }
0x101: {  	s28 =	sadd.s32 $0xFFFFFFFF, s19;
	[sflag:s14] =	ssyncset.done $0x0  }
.LBB2_45:
0x102: {  	p1 =	seq.s32 s28, $0x1;
	s28 =	sadd.s32 $0xFFFFFFFF, s28;
	[sflag:s14] =	ssyncadd.s32 $0xFFFFF800  }
.Ltmp27:
0x103: {  	(pc) =	sbr.rel @!p1 .LBB2_45-.Ltmp27, $3  }
0x104: {  	_ =	sdelay $0x1  }
0x105: {  	_ =	swait.ge [sflag:s14], $0x800  }
0x106: {  	[sflag:s14] =	ssyncset.done $0x0  }
.LBB2_46:
0x107: {  	[sflag:s14] =	ssyncadd.s32 $0xFFFFF800  }
.LBB2_34:
0x108: {  	p6 =	sgt.s32 s20, $0x0  }
.Ltmp28:
0x109: {  	_ = 	snop;
	(pc) =	sbr.rel @!p6 .LBB2_35-.Ltmp28, $1  }
0x10a: {  	_ =	sdelay $0x3  }
0x10b: {  	p1 =	seq.s32 s20, $0x1  }
.Ltmp29:
0x10c: {  	_ = 	snop;
	(pc) =	sbr.rel @p1 .LBB2_49-.Ltmp29, $3  }
0x10d: {  	_ =	sdelay $0x1  }
0x10e: {  	_ =	swait.ge [sflag:s14], $0x800  }
0x10f: {  	s28 =	sadd.s32 $0xFFFFFFFF, s20;
	[sflag:s14] =	ssyncset.done $0x0  }
.LBB2_48:
0x110: {  	p1 =	seq.s32 s28, $0x1;
	s28 =	sadd.s32 $0xFFFFFFFF, s28;
	[sflag:s14] =	ssyncadd.s32 $0xFFFFF800  }
.Ltmp30:
0x111: {  	(pc) =	sbr.rel @!p1 .LBB2_48-.Ltmp30, $3  }
0x112: {  	_ =	sdelay $0x1  }
0x113: {  	_ =	swait.ge [sflag:s14], $0x800  }
0x114: {  	[sflag:s14] =	ssyncset.done $0x0  }
.LBB2_49:
0x115: {  	[sflag:s14] =	ssyncadd.s32 $0xFFFFF800  }
.LBB2_35:
.Ltmp31:
0x116: {  	(pc) =	sbr.rel @!p0 .LBB2_50-.Ltmp31, $1  }
0x117: {  	_ =	sdelay $0x3  }
0x118: {  	p2 =	seq.s32 s17, $0x1  }
.Ltmp32:
0x119: {  	_ = 	snop;
	(pc) =	sbr.rel @p2 .LBB2_37-.Ltmp32, $3  }
0x11a: {  	_ =	sdelay $0x1  }
0x11b: {  	s29 =	simm.s32 $0x200  }
0x11c: {  	s28 =	simm.s32 $0xA50;
	p1 =	por $0x0, $0x0;
	v3 =	vld [tilespmem:s29+$0x0];
	s29 =	sadd.s32 $0xFFFFFFFF, s17  }
0x11d: {  	_ =	sdelay $0x3  }
0x11e: {  	p2 =	seq.s32 s29, $0x1  }
.Ltmp33:
0x11f: {  	_ = 	snop;
	(pc) =	sbr.rel @p2 .LBB2_54-.Ltmp33, $4  }
0x120: {  	_ = 	snop  }
0x121: {  	s30 =	simm.s32 $0x210  }
0x122: {  	[hbm4b:s5+s6] =	stream.indirect_vreg.scatter [tilespmem:s28], [sflag:$0x2], $0x80, v3, vm0, $0xb8;
	[tilespmem:$0x12A50] =	vst v63  }
0x123: {  	s31 =	sadd.s32 $0xFFFFFFFF, s29;
	p1 =	por $0x1, $0x1;
	s29 =	simm.s32 $0xA50;
	v3 =	vld [tilespmem:s30+$0x0]  }
.LBB2_55:
0x124: {  	p2 =	seq.s32 s31, $0x1;
	_ =	sdelay $0x3  }
.Ltmp34:
0x125: {  	(pc) =	sbr.rel @!p2 .LBB2_55-.Ltmp34, $4  }
0x126: {  	_ = 	snop  }
0x127: {  	s30 =	sadd.s32 $0x10, s30;
	s29 =	sadd.s32 $0x800, s29  }
0x128: {  	[hbm4b:s5+s6] =	stream.indirect_vreg.scatter [tilespmem:s29], [sflag:$0x2], $0x80, v3, vm0, $0xb8;
	[tilespmem:$0x12A50] =	vst v63  }
0x129: {  	s31 =	sadd.s32 $0xFFFFFFFF, s31;
	v3 =	vld [tilespmem:s30+$0x0]  }
.LBB2_56:
0x12a: {  	_ =	sdelay $0x5  }
0x12b: {  	s29 =	sadd.s32 @p1 $0x800, s29  }
0x12c: {  	s28 =	smov.u32 @p1 s29  }
0x12d: {  	[hbm4b:s5+s6] =	stream.indirect_vreg.scatter [tilespmem:s28], [sflag:$0x2], $0x80, v3, vm0, $0xb8;
	[tilespmem:$0x12A50] =	vst v63  }
.LBB2_50:
0x12e: {  	s28 =	sld [smem:$0x7FD];
	_ =	sdelay $0x2  }
0x12f: {  	p1 =	seq.s32 s28, $0x1  }
.Ltmp35:
0x130: {  	_ = 	snop;
	(pc) =	sbr.rel @p1 .LBB2_57-.Ltmp35, $1  }
0x131: {  	_ =	sdelay $0x3  }
0x132: {  	p2 =	seq.s32 s18, $0x1  }
.Ltmp36:
0x133: {  	_ = 	snop;
	(pc) =	sbr.rel @p2 .LBB2_52-.Ltmp36, $3  }
0x134: {  	_ =	sdelay $0x1  }
0x135: {  	s28 =	simm.s32 $0x410  }
0x136: {  	s21 =	sadd.s32 $0xA50, s21;
	p1 =	por $0x0, $0x0;
	v3 =	vld [tilespmem:s28+$0x0];
	s28 =	sadd.s32 $0xFFFFFFFF, s18  }
0x137: {  	_ =	sdelay $0x3  }
0x138: {  	p2 =	seq.s32 s28, $0x1  }
.Ltmp37:
0x139: {  	_ = 	snop;
	(pc) =	sbr.rel @p2 .LBB2_61-.Ltmp37, $4  }
0x13a: {  	_ = 	snop  }
0x13b: {  	s29 =	simm.s32 $0x420  }
0x13c: {  	[hbm4b:s5+s6] =	stream.indirect_vreg.scatter [tilespmem:s21], [sflag:$0x2], $0x80, v3, vm0, $0xb8;
	[tilespmem:$0x12A50] =	vst v63  }
0x13d: {  	s30 =	sadd.s32 $0xFFFFFFFF, s28;
	p1 =	por $0x1, $0x1;
	s28 =	smov.u32 s21;
	v3 =	vld [tilespmem:s29+$0x0]  }
.LBB2_62:
0x13e: {  	p2 =	seq.s32 s30, $0x1;
	_ =	sdelay $0x3  }
.Ltmp38:
0x13f: {  	(pc) =	sbr.rel @!p2 .LBB2_62-.Ltmp38, $4  }
0x140: {  	_ = 	snop  }
0x141: {  	s29 =	sadd.s32 $0x10, s29;
	s28 =	sadd.s32 $0x800, s28  }
0x142: {  	[hbm4b:s5+s6] =	stream.indirect_vreg.scatter [tilespmem:s28], [sflag:$0x2], $0x80, v3, vm0, $0xb8;
	[tilespmem:$0x12A50] =	vst v63  }
0x143: {  	s30 =	sadd.s32 $0xFFFFFFFF, s30;
	v3 =	vld [tilespmem:s29+$0x0]  }
.LBB2_63:
0x144: {  	_ =	sdelay $0x5  }
0x145: {  	s28 =	sadd.s32 @p1 $0x800, s28  }
0x146: {  	s21 =	smov.u32 @p1 s28  }
0x147: {  	[hbm4b:s5+s6] =	stream.indirect_vreg.scatter [tilespmem:s21], [sflag:$0x2], $0x80, v3, vm0, $0xb8;
	[tilespmem:$0x12A50] =	vst v63  }
.LBB2_57:
0x148: {  	s21 =	sld [smem:$0x7FC];
	_ =	sdelay $0x2  }
0x149: {  	p1 =	seq.s32 s21, $0x1  }
.Ltmp39:
0x14a: {  	_ = 	snop;
	(pc) =	sbr.rel @p1 .LBB2_64-.Ltmp39, $1  }
0x14b: {  	_ =	sdelay $0x3  }
0x14c: {  	p2 =	seq.s32 s19, $0x1  }
.Ltmp40:
0x14d: {  	_ = 	snop;
	(pc) =	sbr.rel @p2 .LBB2_59-.Ltmp40, $3  }
0x14e: {  	_ =	sdelay $0x1  }
0x14f: {  	s31 =	simm.s32 $0x620  }
0x150: {  	s21 =	sadd.s32 $0xA50, s22;
	s22 =	sadd.s32 $0xFFFFFFFF, s19;
	p1 =	por $0x0, $0x0;
	v3 =	vld [tilespmem:s31+$0x0]  }
0x151: {  	_ =	sdelay $0x3  }
0x152: {  	p2 =	seq.s32 s22, $0x1  }
.Ltmp41:
0x153: {  	_ = 	snop;
	(pc) =	sbr.rel @p2 .LBB2_68-.Ltmp41, $4  }
0x154: {  	_ = 	snop  }
0x155: {  	s28 =	simm.s32 $0x630  }
0x156: {  	[hbm4b:s5+s6] =	stream.indirect_vreg.scatter [tilespmem:s21], [sflag:$0x2], $0x80, v3, vm0, $0xb8;
	[tilespmem:$0x12A50] =	vst v63  }
0x157: {  	s29 =	sadd.s32 $0xFFFFFFFF, s22;
	p1 =	por $0x1, $0x1;
	s22 =	smov.u32 s21;
	v3 =	vld [tilespmem:s28+$0x0]  }
.LBB2_69:
0x158: {  	p2 =	seq.s32 s29, $0x1;
	_ =	sdelay $0x3  }
.Ltmp42:
0x159: {  	(pc) =	sbr.rel @!p2 .LBB2_69-.Ltmp42, $4  }
0x15a: {  	_ = 	snop  }
0x15b: {  	s28 =	sadd.s32 $0x10, s28;
	s22 =	sadd.s32 $0x800, s22  }
0x15c: {  	[hbm4b:s5+s6] =	stream.indirect_vreg.scatter [tilespmem:s22], [sflag:$0x2], $0x80, v3, vm0, $0xb8;
	[tilespmem:$0x12A50] =	vst v63  }
0x15d: {  	s29 =	sadd.s32 $0xFFFFFFFF, s29;
	v3 =	vld [tilespmem:s28+$0x0]  }
.LBB2_70:
0x15e: {  	_ =	sdelay $0x5  }
0x15f: {  	s22 =	sadd.s32 @p1 $0x800, s22  }
0x160: {  	s21 =	smov.u32 @p1 s22  }
0x161: {  	[hbm4b:s5+s6] =	stream.indirect_vreg.scatter [tilespmem:s21], [sflag:$0x2], $0x80, v3, vm0, $0xb8;
	[tilespmem:$0x12A50] =	vst v63  }
.LBB2_64:
.Ltmp43:
0x162: {  	(pc) =	sbr.rel @p3 .LBB2_75-.Ltmp43, $1  }
0x163: {  	_ =	sdelay $0x3  }
0x164: {  	s21 =	sadd.s32 s23, s26;
	p2 =	seq.s32 s20, $0x1  }
.Ltmp44:
0x165: {  	s21 =	sadd.s32 s24, s21;
	(pc) =	sbr.rel @p2 .LBB2_66-.Ltmp44, $4  }
0x166: {  	s21 =	sadd.s32 s25, s21  }
0x167: {  	s21 =	sshll.u32 s21, $0xD  }
0x168: {  	s22 =	simm.s32 $0x830;
	s21 =	sshra.s32 s21, $0x2  }
0x169: {  	p1 =	por $0x0, $0x0;
	v3 =	vld [tilespmem:s22+$0x0];
	s22 =	sadd.s32 $0xFFFFFFFF, s20;
	s21 =	sadd.s32 $0xA50, s21  }
0x16a: {  	_ =	sdelay $0x3  }
0x16b: {  	p2 =	seq.s32 s22, $0x1  }
.Ltmp45:
0x16c: {  	_ = 	snop;
	(pc) =	sbr.rel @p2 .LBB2_72-.Ltmp45, $4  }
0x16d: {  	_ = 	snop  }
0x16e: {  	s23 =	simm.s32 $0x840  }
0x16f: {  	[hbm4b:s5+s6] =	stream.indirect_vreg.scatter [tilespmem:s21], [sflag:$0x2], $0x80, v3, vm0, $0xb8;
	[tilespmem:$0x12A50] =	vst v63  }
0x170: {  	s24 =	sadd.s32 $0xFFFFFFFF, s22;
	p1 =	por $0x1, $0x1;
	s22 =	smov.u32 s21;
	v3 =	vld [tilespmem:s23+$0x0]  }
.LBB2_73:
0x171: {  	p2 =	seq.s32 s24, $0x1;
	_ =	sdelay $0x3  }
.Ltmp46:
0x172: {  	(pc) =	sbr.rel @!p2 .LBB2_73-.Ltmp46, $4  }
0x173: {  	_ = 	snop  }
0x174: {  	s23 =	sadd.s32 $0x10, s23;
	s22 =	sadd.s32 $0x800, s22  }
0x175: {  	[hbm4b:s5+s6] =	stream.indirect_vreg.scatter [tilespmem:s22], [sflag:$0x2], $0x80, v3, vm0, $0xb8;
	[tilespmem:$0x12A50] =	vst v63  }
0x176: {  	s24 =	sadd.s32 $0xFFFFFFFF, s24;
	v3 =	vld [tilespmem:s23+$0x0]  }
.LBB2_74:
0x177: {  	_ =	sdelay $0x5  }
0x178: {  	s22 =	sadd.s32 @p1 $0x800, s22  }
0x179: {  	s21 =	smov.u32 @p1 s22  }
0x17a: {  	[hbm4b:s5+s6] =	stream.indirect_vreg.scatter [tilespmem:s21], [sflag:$0x2], $0x80, v3, vm0, $0xb8;
	[tilespmem:$0x12A50] =	vst v63  }
.LBB2_75:
.Ltmp47:
0x17b: {  	(pc) =	sbr.rel @!p0 .LBB2_76-.Ltmp47, $1  }
0x17c: {  	_ =	sdelay $0x3  }
0x17d: {  	p0 =	seq.s32 s17, $0x1  }
.Ltmp48:
0x17e: {  	_ = 	snop;
	(pc) =	sbr.rel @p0 .LBB2_86-.Ltmp48, $3  }
0x17f: {  	_ =	sdelay $0x1  }
0x180: {  	_ =	swait.ge [sflag:s15], $0x800  }
0x181: {  	s17 =	sadd.s32 $0xFFFFFFFF, s17;
	[sflag:s15] =	ssyncset.done $0x0  }
.LBB2_85:
0x182: {  	p0 =	seq.s32 s17, $0x1;
	s17 =	sadd.s32 $0xFFFFFFFF, s17;
	[sflag:s15] =	ssyncadd.s32 $0xFFFFF800  }
.Ltmp49:
0x183: {  	(pc) =	sbr.rel @!p0 .LBB2_85-.Ltmp49, $3  }
0x184: {  	_ =	sdelay $0x1  }
0x185: {  	_ =	swait.ge [sflag:s15], $0x800  }
0x186: {  	[sflag:s15] =	ssyncset.done $0x0  }
.LBB2_86:
0x187: {  	[sflag:s15] =	ssyncadd.s32 $0xFFFFF800  }
.LBB2_76:
.Ltmp50:
0x188: {  	(pc) =	sbr.rel @!p4 .LBB2_77-.Ltmp50, $1  }
0x189: {  	_ =	sdelay $0x3  }
0x18a: {  	p0 =	seq.s32 s18, $0x1  }
.Ltmp51:
0x18b: {  	_ = 	snop;
	(pc) =	sbr.rel @p0 .LBB2_89-.Ltmp51, $3  }
0x18c: {  	_ =	sdelay $0x1  }
0x18d: {  	_ =	swait.ge [sflag:s15], $0x800  }
0x18e: {  	s17 =	sadd.s32 $0xFFFFFFFF, s18;
	[sflag:s15] =	ssyncset.done $0x0  }
.LBB2_88:
0x18f: {  	p0 =	seq.s32 s17, $0x1;
	s17 =	sadd.s32 $0xFFFFFFFF, s17;
	[sflag:s15] =	ssyncadd.s32 $0xFFFFF800  }
.Ltmp52:
0x190: {  	(pc) =	sbr.rel @!p0 .LBB2_88-.Ltmp52, $3  }
0x191: {  	_ =	sdelay $0x1  }
0x192: {  	_ =	swait.ge [sflag:s15], $0x800  }
0x193: {  	[sflag:s15] =	ssyncset.done $0x0  }
.LBB2_89:
0x194: {  	[sflag:s15] =	ssyncadd.s32 $0xFFFFF800  }
.LBB2_77:
.Ltmp53:
0x195: {  	(pc) =	sbr.rel @!p5 .LBB2_78-.Ltmp53, $1  }
0x196: {  	_ =	sdelay $0x3  }
0x197: {  	p0 =	seq.s32 s19, $0x1  }
.Ltmp54:
0x198: {  	_ = 	snop;
	(pc) =	sbr.rel @p0 .LBB2_92-.Ltmp54, $3  }
0x199: {  	_ =	sdelay $0x1  }
0x19a: {  	_ =	swait.ge [sflag:s15], $0x800  }
0x19b: {  	s17 =	sadd.s32 $0xFFFFFFFF, s19;
	[sflag:s15] =	ssyncset.done $0x0  }
.LBB2_91:
0x19c: {  	p0 =	seq.s32 s17, $0x1;
	s17 =	sadd.s32 $0xFFFFFFFF, s17;
	[sflag:s15] =	ssyncadd.s32 $0xFFFFF800  }
.Ltmp55:
0x19d: {  	(pc) =	sbr.rel @!p0 .LBB2_91-.Ltmp55, $3  }
0x19e: {  	_ =	sdelay $0x1  }
0x19f: {  	_ =	swait.ge [sflag:s15], $0x800  }
0x1a0: {  	[sflag:s15] =	ssyncset.done $0x0  }
.LBB2_92:
0x1a1: {  	[sflag:s15] =	ssyncadd.s32 $0xFFFFF800  }
.LBB2_78:
.Ltmp56:
0x1a2: {  	(pc) =	sbr.rel @!p6 .LBB2_82-.Ltmp56, $1  }
0x1a3: {  	_ =	sdelay $0x3  }
0x1a4: {  	p0 =	sne.s32 s20, $0x1  }
.Ltmp57:
0x1a5: {  	_ = 	snop;
	(pc) =	sbr.rel @!p0 .LBB2_81-.Ltmp57, $3  }
0x1a6: {  	_ =	sdelay $0x1  }
0x1a7: {  	_ =	swait.ge [sflag:s15], $0x800  }
0x1a8: {  	s17 =	sadd.s32 $0xFFFFFFFF, s20;
	[sflag:s15] =	ssyncset.done $0x0  }
.LBB2_80:
0x1a9: {  	p0 =	sne.s32 s17, $0x1;
	s17 =	sadd.s32 $0xFFFFFFFF, s17;
	[sflag:s15] =	ssyncadd.s32 $0xFFFFF800  }
.Ltmp58:
0x1aa: {  	(pc) =	sbr.rel @p0 .LBB2_80-.Ltmp58, $3  }
0x1ab: {  	_ =	sdelay $0x1  }
0x1ac: {  	_ =	swait.ge [sflag:s15], $0x800  }
0x1ad: {  	[sflag:s15] =	ssyncset.done $0x0  }
.Ltmp59:
0x1ae: {  	_ = 	snop;
	(pc) =	sbr.rel .LBB2_81-.Ltmp59, $1  }
0x1af: {  	_ =	sdelay $0x3  }
.LBB2_8:
.Ltmp60:
0x1b0: {  	(pc) =	sbr.rel .LBB2_12-.Ltmp60, $2  }
0x1b1: {  	_ =	sdelay $0x2  }
0x1b2: {  	s21 =	simm.s32 $0xA50  }
.LBB2_6:
.Ltmp61:
0x1b3: {  	(pc) =	sbr.rel .LBB2_19-.Ltmp61, $2  }
0x1b4: {  	_ =	sdelay $0x2  }
0x1b5: {  	s23 =	smov.u32 s22  }
.LBB2_15:
.Ltmp62:
0x1b6: {  	(pc) =	sbr.rel .LBB2_26-.Ltmp62, $2  }
0x1b7: {  	_ =	sdelay $0x2  }
0x1b8: {  	s24 =	smov.u32 s23  }
.LBB2_22:
.Ltmp63:
0x1b9: {  	(pc) =	sbr.rel .LBB2_30-.Ltmp63, $2  }
0x1ba: {  	_ =	sdelay $0x2  }
0x1bb: {  	s29 =	smov.u32 s28  }
.LBB2_37:
.Ltmp64:
0x1bc: {  	(pc) =	sbr.rel .LBB2_56-.Ltmp64, $2  }
0x1bd: {  	_ =	sdelay $0x2  }
0x1be: {  	s29 =	simm.s32 $0xA50  }
.LBB2_52:
.Ltmp65:
0x1bf: {  	(pc) =	sbr.rel .LBB2_63-.Ltmp65, $2  }
0x1c0: {  	_ =	sdelay $0x2  }
0x1c1: {  	s28 =	smov.u32 s21  }
.LBB2_59:
.Ltmp66:
0x1c2: {  	(pc) =	sbr.rel .LBB2_70-.Ltmp66, $2  }
0x1c3: {  	_ =	sdelay $0x2  }
0x1c4: {  	s22 =	smov.u32 s21  }
.LBB2_66:
.Ltmp67:
0x1c5: {  	(pc) =	sbr.rel .LBB2_74-.Ltmp67, $2  }
0x1c6: {  	_ =	sdelay $0x2  }
0x1c7: {  	s22 =	smov.u32 s21  }
.LBB2_10:
.Ltmp68:
0x1c8: {  	(pc) =	sbr.rel .LBB2_12-.Ltmp68, $2  }
0x1c9: {  	_ =	sdelay $0x2  }
0x1ca: {  	s21 =	simm.s32 $0xA50  }
.LBB2_17:
.Ltmp69:
0x1cb: {  	(pc) =	sbr.rel .LBB2_19-.Ltmp69, $2  }
0x1cc: {  	_ =	sdelay $0x2  }
0x1cd: {  	s23 =	smov.u32 s22  }
.LBB2_24:
.Ltmp70:
0x1ce: {  	(pc) =	sbr.rel .LBB2_26-.Ltmp70, $2  }
0x1cf: {  	_ =	sdelay $0x2  }
0x1d0: {  	s24 =	smov.u32 s23  }
.LBB2_28:
.Ltmp71:
0x1d1: {  	(pc) =	sbr.rel .LBB2_30-.Ltmp71, $2  }
0x1d2: {  	_ =	sdelay $0x2  }
0x1d3: {  	s29 =	smov.u32 s28  }
.LBB2_54:
.Ltmp72:
0x1d4: {  	(pc) =	sbr.rel .LBB2_56-.Ltmp72, $2  }
0x1d5: {  	_ =	sdelay $0x2  }
0x1d6: {  	s29 =	simm.s32 $0xA50  }
.LBB2_61:
.Ltmp73:
0x1d7: {  	(pc) =	sbr.rel .LBB2_63-.Ltmp73, $2  }
0x1d8: {  	_ =	sdelay $0x2  }
0x1d9: {  	s28 =	smov.u32 s21  }
.LBB2_68:
.Ltmp74:
0x1da: {  	(pc) =	sbr.rel .LBB2_70-.Ltmp74, $2  }
0x1db: {  	_ =	sdelay $0x2  }
0x1dc: {  	s22 =	smov.u32 s21  }
.LBB2_72:
.Ltmp75:
0x1dd: {  	(pc) =	sbr.rel .LBB2_74-.Ltmp75, $2  }
0x1de: {  	_ =	sdelay $0x2  }
0x1df: {  	s22 =	smov.u32 s21  }
.LBB2_83:
0x1e0: {  	_ =	sfence.sel $0x180000  }
0x1e1: {  	[bflag:$0x0] =	sbarrier.arrive $0xFFFF  }
0x1e2: {  	p0 =	sne.s32 s7, $0x0;
	_ =	strace $0x90000047  }
0x1e3: {  	s0 =	sadd.s32 @!p0 $0x100000, s0;
	[bflag:$0x2] =	sbarrier.arrive $0xFFFF  }
0x1e4: {  	[sflag:s0] =	ssyncadd.tile.s32 @!p0 $0x1;
	_ =	shalt  }
.Lfunc_end2:
_tile_overlayer_lowered:
.L_overlay_start_2:
0x1e5: {  	(tag) =	ssettag $0x2  }
0x1e6: {  	s0 =	rddreg [dreg:$0x0];
	s2 =	stileid.u32  }
0x1e7: {  	s1 =	rddreg [dreg:$0x1];
	p0 =	sne.s32 s2, $0x0  }
0x1e8: {  	s3 =	rddreg [dreg:$0x2];
	[bflag:$0x3] =	sbarrier.arrive $0xFFFF;
	s2 =	simm.s32 @!p0 $0x1C03  }
0x1e9: {  	[timem:s3], [sflag:s2] =	dma.local @!p0 [hbm:s0], s1  }
0x1ea: {  	s0 =	simm.s32 @!p0 $0x3  }
0x1eb: {  	_ =	swait.ge @!p0 [sflag:s0], s1  }
0x1ec: {  	s1 =	ssub.s32 @!p0 $0x0, s1;
	[sflag:s0] =	ssyncset.done @!p0 $0x0  }
0x1ed: {  	[sflag:s0] =	ssyncadd.s32 @!p0 s1  }
0x1ee: {  	[bflag:$0x3] =	sbarrier.arrive $0xFFFF  }
0x1ef: {  	_ =	shalt  }

</sc_bundles>
